<compile_context>
chip_gen: v7x
topology: tpu7x:2x2x1
jax: 0.10.2.dev20260603
libtpu: 0.0.44.dev20260713+nightly
codegen_flags: <defaults>
</compile_context>

<pallas_src>
import functools
import jax
import jax.numpy as jnp
from jax import lax
from jax.experimental import pallas as pl
from jax.experimental.pallas import tpu as pltpu
from jax.experimental.pallas import tpu_sc as plsc

N = 10000
E = 320000
D = 128

NC = 2
NS = 16
NW = NC * NS

CH = 80
NCHUNK = 250
EPT = NCHUNK * CH
EPAD = NS * EPT
CROWS = EPAD // CH
RPT = N // NS
ACC_R = N + 8

VCH = 80
VROWS_PT = 640
NV = NW * VROWS_PT

_mesh = plsc.VectorSubcoreMesh(core_axis_name="c", subcore_axis_name="s")


def _segsum_body(h_hbm, src_hbm, dst_hbm, zacc_hbm, zdeg_hbm,
                 acc_out, deg_out,
                 acc_sh, srcb0, srcb1, dstb0, dstb1, rows0, rows1, deg_v,
                 sg0, sg1, sis0, sis1, sid0, sid1):
    cid = lax.axis_index("c")
    sid = lax.axis_index("s")
    pltpu.sync_copy(zacc_hbm, acc_sh.at[pl.ds(sid * RPT, RPT)])
    pltpu.sync_copy(zdeg_hbm, deg_v.at[pl.ds(0, N)])
    ebase = cid * EPAD + sid * EPT
    plsc.subcore_barrier()

    ones = jnp.ones((16,), jnp.float32)
    rows_l = [rows0, rows1]
    sg_l = [sg0, sg1]
    src_l = [srcb0, srcb1]
    dst_l = [dstb0, dstb1]
    sis_l = [sis0, sis1]
    sid_l = [sid0, sid1]

    def istart(i, p):
        off = ebase + i * CH
        pltpu.async_copy(src_hbm.at[pl.ds(off, CH)], src_l[p], sis_l[p])
        pltpu.async_copy(dst_hbm.at[pl.ds(off, CH)], dst_l[p], sid_l[p])

    def iwait(i, p):
        off = ebase + i * CH
        pltpu.make_async_copy(src_hbm.at[pl.ds(off, CH)], src_l[p],
                              sis_l[p]).wait()
        pltpu.make_async_copy(dst_hbm.at[pl.ds(off, CH)], dst_l[p],
                              sid_l[p]).wait()

    def gstart(i, p):
        pltpu.async_copy(h_hbm.at[src_l[p]], rows_l[p], sg_l[p])

    def gwait(i, p):
        pltpu.make_async_copy(h_hbm.at[src_l[p]], rows_l[p], sg_l[p]).wait()

    def deg(p):
        for j in range(CH // 16):
            idx = dst_l[p][pl.ds(j * 16, 16)]
            plsc.addupdate_scatter(deg_v, [idx], ones)

    istart(0, 0)
    istart(1, 1)
    iwait(0, 0)
    gstart(0, 0)
    K2 = NCHUNK // 2

    def step(k, carry):
        i0 = 2 * k
        for c in range(2):
            i = i0 + c
            if c == 0:
                iwait(i + 1, 1)
                gstart(i + 1, 1)
            else:
                @pl.when(k < K2 - 1)
                def _():
                    iwait(i + 1, 0)
                    gstart(i + 1, 0)
            gwait(i, c)
            deg(c)
            pltpu.sync_copy(rows_l[c], acc_sh.at[dst_l[c]], add=True)
            @pl.when(k < K2 - 1)
            def _():
                istart(i + 2, c)
        return carry

    lax.fori_loop(0, K2, step, 0)
    plsc.subcore_barrier()
    pltpu.sync_copy(acc_sh.at[pl.ds(sid * RPT, RPT)],
                    acc_out.at[cid, pl.ds(sid * RPT, RPT)])
    pltpu.sync_copy(deg_v.at[pl.ds(0, N)], deg_out.at[cid, sid])


def _segsum(h_flat, src, dst, zacc, zdeg):
    return pl.kernel(
        _segsum_body,
        out_type=(jax.ShapeDtypeStruct((NC, N, D), jnp.float32),
                  jax.ShapeDtypeStruct((NC, NS, N), jnp.float32)),
        mesh=_mesh,
        scratch_types=[
            pltpu.VMEM_SHARED((ACC_R, D), jnp.float32),
        ] + [pltpu.VMEM((CH,), jnp.int32)] * 4 + [
            pltpu.VMEM((CH, D), jnp.float32),
            pltpu.VMEM((CH, D), jnp.float32),
            pltpu.VMEM((ACC_R,), jnp.float32),
        ] + [pltpu.SemaphoreType.DMA] * 6,
        compiler_params=pltpu.CompilerParams(use_tc_tiling_on_sc=False, needs_layout_passes=False),
    )(h_flat, src, dst, zacc, zdeg)


def _vgather_body(h_hbm, idx_hbm, out_hbm, idx_v, rows0, rows1, sg0, sg1):
    cid = lax.axis_index("c")
    sid = lax.axis_index("s")
    wid = sid * NC + cid
    base = wid * VROWS_PT
    nvc = VROWS_PT // VCH
    rows_l = [rows0, rows1]
    sg_l = [sg0, sg1]
    pltpu.sync_copy(idx_hbm.at[pl.ds(base, VROWS_PT)], idx_v)

    def gstart(c):
        pltpu.async_copy(h_hbm.at[idx_v.at[pl.ds(c * VCH, VCH)]],
                         rows_l[c % 2], sg_l[c % 2])

    def gwait(c):
        pltpu.make_async_copy(h_hbm.at[idx_v.at[pl.ds(c * VCH, VCH)]],
                              rows_l[c % 2], sg_l[c % 2]).wait()

    gstart(0)
    for c in range(nvc):
        if c + 1 < nvc:
            gstart(c + 1)
        gwait(c)
        pltpu.sync_copy(rows_l[c % 2],
                        out_hbm.at[pl.ds(base + c * VCH, VCH)])


def _vgather(h_flat, idx):
    return pl.kernel(
        _vgather_body,
        out_type=jax.ShapeDtypeStruct((NV, D), jnp.float32),
        mesh=_mesh,
        scratch_types=[
            pltpu.VMEM((VROWS_PT,), jnp.int32),
            pltpu.VMEM((VCH, D), jnp.float32),
            pltpu.VMEM((VCH, D), jnp.float32),
            pltpu.SemaphoreType.DMA,
            pltpu.SemaphoreType.DMA,
        ],
        compiler_params=pltpu.CompilerParams(use_tc_tiling_on_sc=False, needs_layout_passes=False),
    )(h_flat, idx)


BN_HOP = 2000


def _hop_body(acc_ref, degp_ref, w_ref, out_ref):
    a = acc_ref[0]
    deg = jnp.sum(degp_ref[0], axis=1)
    h = jnp.dot(a, w_ref[0], preferred_element_type=jnp.float32)
    h = h / jnp.maximum(deg, 1.0)[:, None]
    out_ref[0] = jnp.maximum(h, 0.0)


def _hop_update(acc, degp, ws):
    degp_t = jnp.swapaxes(degp, 1, 2)
    nb = N // BN_HOP
    return pl.pallas_call(
        _hop_body,
        grid=(NC, nb),
        in_specs=[
            pl.BlockSpec((1, BN_HOP, D), lambda m, b: (m, b, 0)),
            pl.BlockSpec((1, BN_HOP, NS), lambda m, b: (m, b, 0)),
            pl.BlockSpec((1, D, D), lambda m, b: (m, 0, 0)),
        ],
        out_specs=pl.BlockSpec((1, BN_HOP, D), lambda m, b: (m, b, 0)),
        out_shape=jax.ShapeDtypeStruct((NC, N, D), jnp.float32),
    )(acc, degp_t, ws)


BN_FUS = 2000
NB_FUS = N // BN_FUS


def _fusion_body(v_ref, wi_ref, we_ref, att_ref, fused_ref, loss_ref, s_ref):
    i = pl.program_id(0)

    @pl.when(i == 0)
    def _init():
        for k in range(4):
            s_ref[k] = 0.0

    v0 = v_ref[0]
    v1 = v_ref[1]
    wi = wi_ref[...]
    p0 = jnp.tanh(jnp.dot(v0, wi, preferred_element_type=jnp.float32))
    p1 = jnp.tanh(jnp.dot(v1, wi, preferred_element_type=jnp.float32))
    att = att_ref[0]

    @pl.when(i < NB_FUS)
    def _phase1():
        s_ref[0] += jnp.sum(p0 * att[None, :])
        s_ref[1] += jnp.sum(p1 * att[None, :])
        fused_ref[...] = v0
        loss_ref[0, 0] = 0.0

    @pl.when(i >= NB_FUS)
    def _phase2():
        s0 = s_ref[0] / N
        s1 = s_ref[1] / N
        m = jnp.maximum(s0, s1)
        e0 = jnp.exp(s0 - m)
        e1 = jnp.exp(s1 - m)
        a0 = e0 / (e0 + e1)
        a1 = e1 / (e0 + e1)
        fused = jnp.dot(a0 * v0 + a1 * v1, we_ref[...],
                        preferred_element_type=jnp.float32)
        fused_ref[...] = fused
        re = jnp.sum((fused - p0) ** 2) + jnp.sum((fused - p1) ** 2)
        sq0 = jnp.sum(v0 * v0, axis=1)
        sq1 = jnp.sum(v1 * v1, axis=1)
        inv0 = 1.0 / (jnp.sqrt(sq0) + 1e-8)
        inv1 = 1.0 / (jnp.sqrt(sq1) + 1e-8)
        ortho = jnp.sum(jnp.abs(jnp.sum(v0 * v1, axis=1)) * inv0 * inv1)
        s_ref[2] += re
        s_ref[3] += ortho
        loss_ref[0, 0] = s_ref[2] / (2.0 * N * D) + s_ref[3] / N


def _fusion(views, w_intra, w_inter, att2d):
    return pl.pallas_call(
        _fusion_body,
        grid=(2 * NB_FUS,),
        in_specs=[
            pl.BlockSpec((2, BN_FUS, D), lambda i: (0, lax.rem(i, NB_FUS), 0)),
            pl.BlockSpec((D, D), lambda i: (0, 0)),
            pl.BlockSpec((D, D), lambda i: (0, 0)),
            pl.BlockSpec((1, D), lambda i: (0, 0)),
        ],
        out_specs=[
            pl.BlockSpec((BN_FUS, D), lambda i: (lax.rem(i, NB_FUS), 0)),
            pl.BlockSpec(memory_space=pltpu.SMEM),
        ],
        out_shape=[
            jax.ShapeDtypeStruct((N, D), jnp.float32),
            jax.ShapeDtypeStruct((1, 1), jnp.float32),
        ],
        scratch_shapes=[pltpu.SMEM((4,), jnp.float32)],
    )(views, w_intra, w_inter, att2d)


def kernel(x, W0, W1, W_intra, W_inter, att_v,
           edge_index_mp0_hop0, edge_index_mp0_hop1,
           edge_index_mp1_hop0, edge_index_mp1_hop1,
           feature_index_mp0, feature_index_mp1):
    i32 = jnp.int32
    pad_s = jnp.zeros((EPAD - E,), i32)
    pad_d = jnp.full((EPAD - E,), N, i32)

    def padded(a, b, pad):
        return jnp.concatenate([a, pad, b, pad])

    src_l0 = padded(edge_index_mp0_hop0[0].astype(i32),
                    edge_index_mp1_hop0[0].astype(i32), pad_s)
    dst_l0 = padded(edge_index_mp0_hop0[1].astype(i32),
                    edge_index_mp1_hop0[1].astype(i32), pad_d)
    src_l1 = padded(edge_index_mp0_hop1[0].astype(i32),
                    edge_index_mp1_hop1[0].astype(i32) + N, pad_s)
    dst_l1 = padded(edge_index_mp0_hop1[1].astype(i32),
                    edge_index_mp1_hop1[1].astype(i32), pad_d)
    zacc = jnp.zeros((RPT, D), jnp.float32)
    zdeg = jnp.zeros((N,), jnp.float32)
    ws_l0 = jnp.stack([W0, W1])
    ws_l1 = jnp.stack([W1, W0])

    acc0, degp0 = _segsum(x, src_l0, dst_l0, zacc, zdeg)
    h_l0 = _hop_update(acc0, degp0, ws_l0).reshape(NC * N, D)
    acc1, degp1 = _segsum(h_l0, src_l1, dst_l1, zacc, zdeg)
    h_l1 = _hop_update(acc1, degp1, ws_l1).reshape(NC * N, D)

    f_all = jnp.concatenate([
        feature_index_mp0.astype(i32),
        feature_index_mp1.astype(i32) + N,
        jnp.zeros((NV - 2 * N,), i32),
    ])
    v_all = _vgather(h_l1, f_all)
    views = v_all[:2 * N].reshape(2, N, D)

    fused, loss = _fusion(views, W_intra, W_inter, att_v.reshape(1, D))
    return fused, loss.reshape(())

# --- scband reference (transcript-rebuilt; emitter-appended) ---
"""Pipeline reference for scband-base-layer-62912680952379 (READ-ONLY COPY).

The authoritative reference and input builder live on the scoring server;
editing this copy changes nothing except your own understanding.
"""

import jax, jax.numpy as jnp
import numpy as np

N = 10000
E = 320000
D = 128


def _rel_encode(h, edge_index, W):
    # One relational message-passing step: gather src features, transform by
    # the relation-specific weight, scatter-add to dst, mean-normalize, ReLU.
    src = edge_index[0]
    dst = edge_index[1]
    msg = jnp.take(h, src, axis=0) @ W
    agg = jax.ops.segment_sum(msg, dst, num_segments=h.shape[0])
    deg = jax.ops.segment_sum(jnp.ones((edge_index.shape[1],), h.dtype), dst, num_segments=h.shape[0])
    return jax.nn.relu(agg / jnp.maximum(deg, 1.0)[:, None])


def setup_inputs(seed: int = 0) -> dict:
    key = jax.random.key(seed)
    ks = jax.random.split(key, 12)
    scale = 1.0 / np.sqrt(D)
    inp = {}
    inp['x'] = jax.random.normal(ks[0], (N, D), jnp.float32)
    inp['W0'] = jax.random.normal(ks[1], (D, D), jnp.float32) * scale
    inp['W1'] = jax.random.normal(ks[2], (D, D), jnp.float32) * scale
    inp['W_intra'] = jax.random.normal(ks[3], (D, D), jnp.float32) * scale
    inp['W_inter'] = jax.random.normal(ks[4], (D, D), jnp.float32) * scale
    inp['att_v'] = jax.random.normal(ks[5], (D,), jnp.float32) * scale
    inp['edge_index_mp0_hop0'] = jax.random.randint(ks[6], (2, E), 0, N, jnp.int64)
    inp['edge_index_mp0_hop1'] = jax.random.randint(ks[7], (2, E), 0, N, jnp.int64)
    inp['edge_index_mp1_hop0'] = jax.random.randint(ks[8], (2, E), 0, N, jnp.int64)
    inp['edge_index_mp1_hop1'] = jax.random.randint(ks[9], (2, E), 0, N, jnp.int64)
    inp['feature_index_mp0'] = jax.random.randint(ks[10], (N,), 0, N, jnp.int64)
    inp['feature_index_mp1'] = jax.random.randint(ks[11], (N,), 0, N, jnp.int64)
    return inp


def reference(x, W0, W1, W_intra, W_inter, att_v,
              edge_index_mp0_hop0, edge_index_mp0_hop1,
              edge_index_mp1_hop0, edge_index_mp1_hop1,
              feature_index_mp0, feature_index_mp1):
    # Metapath 0 with edge types [0, 1]: hierarchical relational encoding
    h0 = _rel_encode(x, edge_index_mp0_hop0, W0)
    h0 = _rel_encode(h0, edge_index_mp0_hop1, W1)
    v0 = jnp.take(h0, feature_index_mp0, axis=0)
    # Metapath 1 with edge types [1, 0]
    h1 = _rel_encode(x, edge_index_mp1_hop0, W1)
    h1 = _rel_encode(h1, edge_index_mp1_hop1, W0)
    v1 = jnp.take(h1, feature_index_mp1, axis=0)
    # AutoMvFusion: semantic attention over metapath views
    views = jnp.stack([v0, v1], axis=0)              # [M, Ns, D]
    proj = jnp.tanh(views @ W_intra)                 # [M, Ns, D]
    scores = jnp.mean(proj @ att_v, axis=1)          # [M]
    alpha = jax.nn.softmax(scores)
    fused = jnp.einsum('m,mnd->nd', alpha, views) @ W_inter  # [Ns, D]
    # Reconstruction (mse) loss between fused view and per-metapath projections
    re_loss = jnp.mean((fused[None, :, :] - proj) ** 2)
    # Orthogonality loss between metapath views
    eps = 1e-8
    v0n = v0 / (jnp.linalg.norm(v0, axis=-1, keepdims=True) + eps)
    v1n = v1 / (jnp.linalg.norm(v1, axis=-1, keepdims=True) + eps)
    ortho_loss = jnp.mean(jnp.abs(jnp.sum(v0n * v1n, axis=-1)))
    re_and_ortho_loss = re_loss + ortho_loss
    return fused, re_and_ortho_loss

if __name__ == "__main__":
    import jax
    _d = setup_inputs()
    print(jax.jit(kernel)(*tuple(_d.values())))

</pallas_src>

<mosaic_0001>
#map = affine_map<(d0, d1) -> (0, 0)>
#map1 = affine_map<(d0, d1) -> (0)>
#map2 = affine_map<(d0, d1) -> (0, 0, 0)>
module attributes {stable_mosaic.version = 14 : i64} {
  func.func @_segsum_body(%arg0: i32, %arg1: i32, %arg2: memref<10000x128xf32, #tpu.memory_space<hbm>>, %arg3: memref<640000xi32, #tpu.memory_space<hbm>>, %arg4: memref<640000xi32, #tpu.memory_space<hbm>>, %arg5: memref<625x128xf32, #tpu.memory_space<hbm>>, %arg6: memref<10000xf32, #tpu.memory_space<hbm>>, %arg7: memref<2x10000x128xf32, #tpu.memory_space<hbm>>, %arg8: memref<2x16x10000xf32, #tpu.memory_space<hbm>>, %arg9: memref<10008x128xf32, #tpu.memory_space<vmem_shared>>, %arg10: memref<80xi32, #tpu.memory_space<vmem>>, %arg11: memref<80xi32, #tpu.memory_space<vmem>>, %arg12: memref<80xi32, #tpu.memory_space<vmem>>, %arg13: memref<80xi32, #tpu.memory_space<vmem>>, %arg14: memref<80x128xf32, #tpu.memory_space<vmem>>, %arg15: memref<80x128xf32, #tpu.memory_space<vmem>>, %arg16: memref<10008xf32, #tpu.memory_space<vmem>>, %arg17: memref<!tpu.dma_semaphore, #tpu.memory_space<semaphore_mem>>, %arg18: memref<!tpu.dma_semaphore, #tpu.memory_space<semaphore_mem>>, %arg19: memref<!tpu.dma_semaphore, #tpu.memory_space<semaphore_mem>>, %arg20: memref<!tpu.dma_semaphore, #tpu.memory_space<semaphore_mem>>, %arg21: memref<!tpu.dma_semaphore, #tpu.memory_space<semaphore_mem>>, %arg22: memref<!tpu.dma_semaphore, #tpu.memory_space<semaphore_mem>>) attributes {dimension_semantics = [#tpu.dimension_semantics<core_parallel>, #tpu.dimension_semantics<subcore_parallel>], iteration_bounds = array<i64: 2, 16>, scalar_prefetch = 0 : i64, scratch_operands = 14 : i64, tpu.core_type = #tpu.core_type<sc_vector_subcore>, window_params = [{transform_indices = #map}, {transform_indices = #map1}, {transform_indices = #map1}, {transform_indices = #map}, {transform_indices = #map1}, {transform_indices = #map2}, {transform_indices = #map2}]} {
    %mul3A = arith.constant 625 : i32
    %mul3A_0 = arith.muli %arg1, %mul3A : i32
    "tpu.region"() ({
      %run_scoped3A = tpu.sem_alloc : memref<!tpu.dma_semaphore, #tpu.memory_space<semaphore_mem>>
      %dma_start3A_35 = arith.constant 0 : i32
      %dma_start3A_36 = tpu.memref_slice %arg9[%mul3A_0, %dma_start3A_35] : memref<10008x128xf32, #tpu.memory_space<vmem_shared>> -> memref<625x128xf32, #tpu.memory_space<vmem_shared>>
      tpu.enqueue_dma source(%arg5 : memref<625x128xf32, #tpu.memory_space<hbm>>) target(%dma_start3A_36 : memref<625x128xf32, #tpu.memory_space<vmem_shared>>) target_semaphore(%run_scoped3A : memref<!tpu.dma_semaphore, #tpu.memory_space<semaphore_mem>>)
      %dma_wait3A_37 = arith.constant 0 : i32
      %dma_wait3A_38 = tpu.memref_slice %arg9[%mul3A_0, %dma_wait3A_37] : memref<10008x128xf32, #tpu.memory_space<vmem_shared>> -> memref<625x128xf32, #tpu.memory_space<vmem_shared>>
      tpu.wait_dma2 semaphore(%run_scoped3A : memref<!tpu.dma_semaphore, #tpu.memory_space<semaphore_mem>>) src(%arg5 : memref<625x128xf32, #tpu.memory_space<hbm>>) dst(%dma_wait3A_38 : memref<625x128xf32, #tpu.memory_space<vmem_shared>>)
      tpu.yield
    }) : () -> ()
    "tpu.region"() ({
      %run_scoped3A = tpu.sem_alloc : memref<!tpu.dma_semaphore, #tpu.memory_space<semaphore_mem>>
      %dma_start3A_35 = arith.constant 0 : i32
      %dma_start3A_36 = tpu.memref_slice %arg16[%dma_start3A_35] : memref<10008xf32, #tpu.memory_space<vmem>> -> memref<10000xf32, #tpu.memory_space<vmem>>
      %dma_start3A_37 = arith.constant 0 : i32
      %dma_start3A_38 = tpu.memref_slice %arg16[%dma_start3A_37] : memref<10008xf32, #tpu.memory_space<vmem>> -> memref<10000xf32, #tpu.memory_space<vmem>>
      tpu.enqueue_dma source(%arg6 : memref<10000xf32, #tpu.memory_space<hbm>>) target(%dma_start3A_38 : memref<10000xf32, #tpu.memory_space<vmem>>) target_semaphore(%run_scoped3A : memref<!tpu.dma_semaphore, #tpu.memory_space<semaphore_mem>>)
      %dma_wait3A_39 = arith.constant 0 : i32
      %dma_wait3A_40 = tpu.memref_slice %arg16[%dma_wait3A_39] : memref<10008xf32, #tpu.memory_space<vmem>> -> memref<10000xf32, #tpu.memory_space<vmem>>
      %dma_wait3A_41 = arith.constant 0 : i32
      %dma_wait3A_42 = tpu.memref_slice %arg16[%dma_wait3A_41] : memref<10008xf32, #tpu.memory_space<vmem>> -> memref<10000xf32, #tpu.memory_space<vmem>>
      tpu.wait_dma2 semaphore(%run_scoped3A : memref<!tpu.dma_semaphore, #tpu.memory_space<semaphore_mem>>) src(%arg6 : memref<10000xf32, #tpu.memory_space<hbm>>) dst(%dma_wait3A_42 : memref<10000xf32, #tpu.memory_space<vmem>>)
      tpu.yield
    }) : () -> ()
    %mul3A_1 = arith.constant 320000 : i32
    %mul3A_2 = arith.muli %arg0, %mul3A_1 : i32
    %mul3A_3 = arith.constant 20000 : i32
    %mul3A_4 = arith.muli %arg1, %mul3A_3 : i32
    %add3A = arith.addi %mul3A_2, %mul3A_4 : i32
    %barrier3A = arith.constant 0 : index
    tpu.barrier barrier_id(%barrier3A)
    %broadcast_in_dim3A = arith.constant 1.000000e+00 : f32
    %broadcast_in_dim3A_5 = vector.broadcast %broadcast_in_dim3A : f32 to vector<16xf32>
    %add3A_6 = arith.constant 0 : i32
    %add3A_7 = arith.addi %add3A, %add3A_6 : i32
    %dma_start3A = tpu.memref_slice %arg3[%add3A_7] : memref<640000xi32, #tpu.memory_space<hbm>> -> memref<80xi32, #tpu.memory_space<hbm>>
    %dma_start3A_8 = tpu.memref_slice %arg3[%add3A_7] : memref<640000xi32, #tpu.memory_space<hbm>> -> memref<80xi32, #tpu.memory_space<hbm>>
    tpu.enqueue_dma source(%dma_start3A_8 : memref<80xi32, #tpu.memory_space<hbm>>) target(%arg10 : memref<80xi32, #tpu.memory_space<vmem>>) target_semaphore(%arg19 : memref<!tpu.dma_semaphore, #tpu.memory_space<semaphore_mem>>)
    %dma_start3A_9 = tpu.memref_slice %arg4[%add3A_7] : memref<640000xi32, #tpu.memory_space<hbm>> -> memref<80xi32, #tpu.memory_space<hbm>>
    %dma_start3A_10 = tpu.memref_slice %arg4[%add3A_7] : memref<640000xi32, #tpu.memory_space<hbm>> -> memref<80xi32, #tpu.memory_space<hbm>>
    tpu.enqueue_dma source(%dma_start3A_10 : memref<80xi32, #tpu.memory_space<hbm>>) target(%arg12 : memref<80xi32, #tpu.memory_space<vmem>>) target_semaphore(%arg21 : memref<!tpu.dma_semaphore, #tpu.memory_space<semaphore_mem>>)
    %add3A_11 = arith.constant 80 : i32
    %add3A_12 = arith.addi %add3A, %add3A_11 : i32
    %dma_start3A_13 = tpu.memref_slice %arg3[%add3A_12] : memref<640000xi32, #tpu.memory_space<hbm>> -> memref<80xi32, #tpu.memory_space<hbm>>
    %dma_start3A_14 = tpu.memref_slice %arg3[%add3A_12] : memref<640000xi32, #tpu.memory_space<hbm>> -> memref<80xi32, #tpu.memory_space<hbm>>
    tpu.enqueue_dma source(%dma_start3A_14 : memref<80xi32, #tpu.memory_space<hbm>>) target(%arg11 : memref<80xi32, #tpu.memory_space<vmem>>) target_semaphore(%arg20 : memref<!tpu.dma_semaphore, #tpu.memory_space<semaphore_mem>>)
    %dma_start3A_15 = tpu.memref_slice %arg4[%add3A_12] : memref<640000xi32, #tpu.memory_space<hbm>> -> memref<80xi32, #tpu.memory_space<hbm>>
    %dma_start3A_16 = tpu.memref_slice %arg4[%add3A_12] : memref<640000xi32, #tpu.memory_space<hbm>> -> memref<80xi32, #tpu.memory_space<hbm>>
    tpu.enqueue_dma source(%dma_start3A_16 : memref<80xi32, #tpu.memory_space<hbm>>) target(%arg13 : memref<80xi32, #tpu.memory_space<vmem>>) target_semaphore(%arg22 : memref<!tpu.dma_semaphore, #tpu.memory_space<semaphore_mem>>)
    %add3A_17 = arith.constant 0 : i32
    %add3A_18 = arith.addi %add3A, %add3A_17 : i32
    %dma_wait3A = tpu.memref_slice %arg3[%add3A_18] : memref<640000xi32, #tpu.memory_space<hbm>> -> memref<80xi32, #tpu.memory_space<hbm>>
    %dma_wait3A_19 = tpu.memref_slice %arg3[%add3A_18] : memref<640000xi32, #tpu.memory_space<hbm>> -> memref<80xi32, #tpu.memory_space<hbm>>
    tpu.wait_dma2 semaphore(%arg19 : memref<!tpu.dma_semaphore, #tpu.memory_space<semaphore_mem>>) src(%dma_wait3A_19 : memref<80xi32, #tpu.memory_space<hbm>>) dst(%arg10 : memref<80xi32, #tpu.memory_space<vmem>>)
    %dma_wait3A_20 = tpu.memref_slice %arg4[%add3A_18] : memref<640000xi32, #tpu.memory_space<hbm>> -> memref<80xi32, #tpu.memory_space<hbm>>
    %dma_wait3A_21 = tpu.memref_slice %arg4[%add3A_18] : memref<640000xi32, #tpu.memory_space<hbm>> -> memref<80xi32, #tpu.memory_space<hbm>>
    tpu.wait_dma2 semaphore(%arg21 : memref<!tpu.dma_semaphore, #tpu.memory_space<semaphore_mem>>) src(%dma_wait3A_21 : memref<80xi32, #tpu.memory_space<hbm>>) dst(%arg12 : memref<80xi32, #tpu.memory_space<vmem>>)
    %dma_start3A_22 = arith.constant 0 : i32
    %dma_start3A_23 = arith.constant 0 : i32
    %dma_start3A_24 = tpu.memref_slice %arg2[%dma_start3A_22, %dma_start3A_23] : memref<10000x128xf32, #tpu.memory_space<hbm>> -> memref<10000x128xf32, #tpu.memory_space<hbm>>
    tpu.enqueue_indirect_dma source(%dma_start3A_24 : memref<10000x128xf32, #tpu.memory_space<hbm>>) target(%arg14 : memref<80x128xf32, #tpu.memory_space<vmem>>) offsets(%arg10 : memref<80xi32, #tpu.memory_space<vmem>>) semaphore(%arg17 : memref<!tpu.dma_semaphore, #tpu.memory_space<semaphore_mem>>)
    %scan3A = arith.constant 0 : i32
    %scan3A_25 = arith.constant 0 : i32
    %scan3A_26 = arith.constant 125 : i32
    %scan3A_27 = arith.addi %scan3A_25, %scan3A_26 : i32
    %scan3A_28 = arith.constant 1 : i32
    scf.for %scan3A_35 = %scan3A_25 to %scan3A_27 step %scan3A_28  : i32 {
      %mul3A_36 = arith.constant 2 : i32
      %mul3A_37 = arith.muli %mul3A_36, %scan3A_35 : i32
      %add3A_38 = arith.constant 0 : i32
      %add3A_39 = arith.addi %mul3A_37, %add3A_38 : i32
      %add3A_40 = arith.constant 1 : i32
      %add3A_41 = arith.addi %add3A_39, %add3A_40 : i32
      %mul3A_42 = arith.constant 80 : i32
      %mul3A_43 = arith.muli %add3A_41, %mul3A_42 : i32
      %add3A_44 = arith.addi %add3A, %mul3A_43 : i32
      %dma_wait3A_45 = tpu.memref_slice %arg3[%add3A_44] : memref<640000xi32, #tpu.memory_space<hbm>> -> memref<80xi32, #tpu.memory_space<hbm>>
      %dma_wait3A_46 = tpu.memref_slice %arg3[%add3A_44] : memref<640000xi32, #tpu.memory_space<hbm>> -> memref<80xi32, #tpu.memory_space<hbm>>
      tpu.wait_dma2 semaphore(%arg20 : memref<!tpu.dma_semaphore, #tpu.memory_space<semaphore_mem>>) src(%dma_wait3A_46 : memref<80xi32, #tpu.memory_space<hbm>>) dst(%arg11 : memref<80xi32, #tpu.memory_space<vmem>>)
      %dma_wait3A_47 = tpu.memref_slice %arg4[%add3A_44] : memref<640000xi32, #tpu.memory_space<hbm>> -> memref<80xi32, #tpu.memory_space<hbm>>
      %dma_wait3A_48 = tpu.memref_slice %arg4[%add3A_44] : memref<640000xi32, #tpu.memory_space<hbm>> -> memref<80xi32, #tpu.memory_space<hbm>>
      tpu.wait_dma2 semaphore(%arg22 : memref<!tpu.dma_semaphore, #tpu.memory_space<semaphore_mem>>) src(%dma_wait3A_48 : memref<80xi32, #tpu.memory_space<hbm>>) dst(%arg13 : memref<80xi32, #tpu.memory_space<vmem>>)
      %add3A_49 = arith.constant 1 : i32
      %add3A_50 = arith.addi %add3A_39, %add3A_49 : i32
      %dma_start3A_51 = arith.constant 0 : i32
      %dma_start3A_52 = arith.constant 0 : i32
      %dma_start3A_53 = tpu.memref_slice %arg2[%dma_start3A_51, %dma_start3A_52] : memref<10000x128xf32, #tpu.memory_space<hbm>> -> memref<10000x128xf32, #tpu.memory_space<hbm>>
      tpu.enqueue_indirect_dma source(%dma_start3A_53 : memref<10000x128xf32, #tpu.memory_space<hbm>>) target(%arg15 : memref<80x128xf32, #tpu.memory_space<vmem>>) offsets(%arg11 : memref<80xi32, #tpu.memory_space<vmem>>) semaphore(%arg18 : memref<!tpu.dma_semaphore, #tpu.memory_space<semaphore_mem>>)
      %dma_wait3A_54 = arith.constant 0 : i32
      %dma_wait3A_55 = arith.constant 0 : i32
      %dma_wait3A_56 = tpu.memref_slice %arg2[%dma_wait3A_54, %dma_wait3A_55] : memref<10000x128xf32, #tpu.memory_space<hbm>> -> memref<10000x128xf32, #tpu.memory_space<hbm>>
      tpu.wait_indirect_dma semaphore(%arg17 : memref<!tpu.dma_semaphore, #tpu.memory_space<semaphore_mem>>) src(%dma_wait3A_56 : memref<10000x128xf32, #tpu.memory_space<hbm>>) dst(%arg14 : memref<80x128xf32, #tpu.memory_space<vmem>>)
      %get3A = arith.constant 0 : index
      %get3A_57 = tpu.vector_load %arg12[%get3A] {strides = array<i32>} : memref<80xi32, #tpu.memory_space<vmem>>, vector<16xi32>,
      tpu.vector_store_idx %arg16[%get3A_57], %broadcast_in_dim3A_5 {add = true} : memref<10008xf32, #tpu.memory_space<vmem>>[vector<16xi32>], vector<16xf32>,
      %get3A_58 = arith.constant 16 : index
      %get3A_59 = tpu.vector_load %arg12[%get3A_58] {strides = array<i32>} : memref<80xi32, #tpu.memory_space<vmem>>, vector<16xi32>,
      tpu.vector_store_idx %arg16[%get3A_59], %broadcast_in_dim3A_5 {add = true} : memref<10008xf32, #tpu.memory_space<vmem>>[vector<16xi32>], vector<16xf32>,
      %get3A_60 = arith.constant 32 : index
      %get3A_61 = tpu.vector_load %arg12[%get3A_60] {strides = array<i32>} : memref<80xi32, #tpu.memory_space<vmem>>, vector<16xi32>,
      tpu.vector_store_idx %arg16[%get3A_61], %broadcast_in_dim3A_5 {add = true} : memref<10008xf32, #tpu.memory_space<vmem>>[vector<16xi32>], vector<16xf32>,
      %get3A_62 = arith.constant 48 : index
      %get3A_63 = tpu.vector_load %arg12[%get3A_62] {strides = array<i32>} : memref<80xi32, #tpu.memory_space<vmem>>, vector<16xi32>,
      tpu.vector_store_idx %arg16[%get3A_63], %broadcast_in_dim3A_5 {add = true} : memref<10008xf32, #tpu.memory_space<vmem>>[vector<16xi32>], vector<16xf32>,
      %get3A_64 = arith.constant 64 : index
      %get3A_65 = tpu.vector_load %arg12[%get3A_64] {strides = array<i32>} : memref<80xi32, #tpu.memory_space<vmem>>, vector<16xi32>,
      tpu.vector_store_idx %arg16[%get3A_65], %broadcast_in_dim3A_5 {add = true} : memref<10008xf32, #tpu.memory_space<vmem>>[vector<16xi32>], vector<16xf32>,
      "tpu.region"() ({
        %run_scoped3A = tpu.sem_alloc : memref<!tpu.dma_semaphore, #tpu.memory_space<semaphore_mem>>
        %dma_start3A_93 = arith.constant 0 : i32
        %dma_start3A_94 = arith.constant 0 : i32
        %dma_start3A_95 = tpu.memref_slice %arg9[%dma_start3A_93, %dma_start3A_94] : memref<10008x128xf32, #tpu.memory_space<vmem_shared>> -> memref<10008x128xf32, #tpu.memory_space<vmem_shared>>
        tpu.enqueue_indirect_dma source(%arg14 : memref<80x128xf32, #tpu.memory_space<vmem>>) target(%dma_start3A_95 : memref<10008x128xf32, #tpu.memory_space<vmem_shared>>) offsets(%arg12 : memref<80xi32, #tpu.memory_space<vmem>>) semaphore(%run_scoped3A : memref<!tpu.dma_semaphore, #tpu.memory_space<semaphore_mem>>) {add = true}
        %dma_wait3A_96 = arith.constant 0 : i32
        %dma_wait3A_97 = arith.constant 0 : i32
        %dma_wait3A_98 = tpu.memref_slice %arg9[%dma_wait3A_96, %dma_wait3A_97] : memref<10008x128xf32, #tpu.memory_space<vmem_shared>> -> memref<10008x128xf32, #tpu.memory_space<vmem_shared>>
        tpu.wait_indirect_dma semaphore(%run_scoped3A : memref<!tpu.dma_semaphore, #tpu.memory_space<semaphore_mem>>) src(%arg14 : memref<80x128xf32, #tpu.memory_space<vmem>>) dst(%dma_wait3A_98 : memref<10008x128xf32, #tpu.memory_space<vmem_shared>>)
        tpu.yield
      }) : () -> ()
      %lt3A = arith.constant 124 : i32
      %lt3A_66 = arith.cmpi slt, %scan3A_35, %lt3A : i32
      %convert_element_type3A = arith.extui %lt3A_66 : i1 to i32
      %cond3A = arith.constant 0 : i32
      %cond3A_67 = arith.cmpi ne, %convert_element_type3A, %cond3A : i32
      scf.if %cond3A_67 {
        %add3A_93 = arith.constant 2 : i32
        %add3A_94 = arith.addi %add3A_39, %add3A_93 : i32
        %mul3A_95 = arith.constant 80 : i32
        %mul3A_96 = arith.muli %add3A_94, %mul3A_95 : i32
        %add3A_97 = arith.addi %add3A, %mul3A_96 : i32
        %dma_start3A_98 = tpu.memref_slice %arg3[%add3A_97] : memref<640000xi32, #tpu.memory_space<hbm>> -> memref<80xi32, #tpu.memory_space<hbm>>
        %dma_start3A_99 = tpu.memref_slice %arg3[%add3A_97] : memref<640000xi32, #tpu.memory_space<hbm>> -> memref<80xi32, #tpu.memory_space<hbm>>
        tpu.enqueue_dma source(%dma_start3A_99 : memref<80xi32, #tpu.memory_space<hbm>>) target(%arg10 : memref<80xi32, #tpu.memory_space<vmem>>) target_semaphore(%arg19 : memref<!tpu.dma_semaphore, #tpu.memory_space<semaphore_mem>>)
        %dma_start3A_100 = tpu.memref_slice %arg4[%add3A_97] : memref<640000xi32, #tpu.memory_space<hbm>> -> memref<80xi32, #tpu.memory_space<hbm>>
        %dma_start3A_101 = tpu.memref_slice %arg4[%add3A_97] : memref<640000xi32, #tpu.memory_space<hbm>> -> memref<80xi32, #tpu.memory_space<hbm>>
        tpu.enqueue_dma source(%dma_start3A_101 : memref<80xi32, #tpu.memory_space<hbm>>) target(%arg12 : memref<80xi32, #tpu.memory_space<vmem>>) target_semaphore(%arg21 : memref<!tpu.dma_semaphore, #tpu.memory_space<semaphore_mem>>)
      } else {
      }
      %add3A_68 = arith.constant 1 : i32
      %add3A_69 = arith.addi %mul3A_37, %add3A_68 : i32
      %lt3A_70 = arith.constant 124 : i32
      %lt3A_71 = arith.cmpi slt, %scan3A_35, %lt3A_70 : i32
      %convert_element_type3A_72 = arith.extui %lt3A_71 : i1 to i32
      %cond3A_73 = arith.constant 0 : i32
      %cond3A_74 = arith.cmpi ne, %convert_element_type3A_72, %cond3A_73 : i32
      scf.if %cond3A_74 {
        %add3A_93 = arith.constant 1 : i32
        %add3A_94 = arith.addi %add3A_69, %add3A_93 : i32
        %mul3A_95 = arith.constant 80 : i32
        %mul3A_96 = arith.muli %add3A_94, %mul3A_95 : i32
        %add3A_97 = arith.addi %add3A, %mul3A_96 : i32
        %dma_wait3A_98 = tpu.memref_slice %arg3[%add3A_97] : memref<640000xi32, #tpu.memory_space<hbm>> -> memref<80xi32, #tpu.memory_space<hbm>>
        %dma_wait3A_99 = tpu.memref_slice %arg3[%add3A_97] : memref<640000xi32, #tpu.memory_space<hbm>> -> memref<80xi32, #tpu.memory_space<hbm>>
        tpu.wait_dma2 semaphore(%arg19 : memref<!tpu.dma_semaphore, #tpu.memory_space<semaphore_mem>>) src(%dma_wait3A_99 : memref<80xi32, #tpu.memory_space<hbm>>) dst(%arg10 : memref<80xi32, #tpu.memory_space<vmem>>)
        %dma_wait3A_100 = tpu.memref_slice %arg4[%add3A_97] : memref<640000xi32, #tpu.memory_space<hbm>> -> memref<80xi32, #tpu.memory_space<hbm>>
        %dma_wait3A_101 = tpu.memref_slice %arg4[%add3A_97] : memref<640000xi32, #tpu.memory_space<hbm>> -> memref<80xi32, #tpu.memory_space<hbm>>
        tpu.wait_dma2 semaphore(%arg21 : memref<!tpu.dma_semaphore, #tpu.memory_space<semaphore_mem>>) src(%dma_wait3A_101 : memref<80xi32, #tpu.memory_space<hbm>>) dst(%arg12 : memref<80xi32, #tpu.memory_space<vmem>>)
        %add3A_102 = arith.constant 1 : i32
        %add3A_103 = arith.addi %add3A_69, %add3A_102 : i32
        %dma_start3A_104 = arith.constant 0 : i32
        %dma_start3A_105 = arith.constant 0 : i32
        %dma_start3A_106 = tpu.memref_slice %arg2[%dma_start3A_104, %dma_start3A_105] : memref<10000x128xf32, #tpu.memory_space<hbm>> -> memref<10000x128xf32, #tpu.memory_space<hbm>>
        tpu.enqueue_indirect_dma source(%dma_start3A_106 : memref<10000x128xf32, #tpu.memory_space<hbm>>) target(%arg14 : memref<80x128xf32, #tpu.memory_space<vmem>>) offsets(%arg10 : memref<80xi32, #tpu.memory_space<vmem>>) semaphore(%arg17 : memref<!tpu.dma_semaphore, #tpu.memory_space<semaphore_mem>>)
      } else {
      }
      %dma_wait3A_75 = arith.constant 0 : i32
      %dma_wait3A_76 = arith.constant 0 : i32
      %dma_wait3A_77 = tpu.memref_slice %arg2[%dma_wait3A_75, %dma_wait3A_76] : memref<10000x128xf32, #tpu.memory_space<hbm>> -> memref<10000x128xf32, #tpu.memory_space<hbm>>
      tpu.wait_indirect_dma semaphore(%arg18 : memref<!tpu.dma_semaphore, #tpu.memory_space<semaphore_mem>>) src(%dma_wait3A_77 : memref<10000x128xf32, #tpu.memory_space<hbm>>) dst(%arg15 : memref<80x128xf32, #tpu.memory_space<vmem>>)
      %get3A_78 = arith.constant 0 : index
      %get3A_79 = tpu.vector_load %arg13[%get3A_78] {strides = array<i32>} : memref<80xi32, #tpu.memory_space<vmem>>, vector<16xi32>,
      tpu.vector_store_idx %arg16[%get3A_79], %broadcast_in_dim3A_5 {add = true} : memref<10008xf32, #tpu.memory_space<vmem>>[vector<16xi32>], vector<16xf32>,
      %get3A_80 = arith.constant 16 : index
      %get3A_81 = tpu.vector_load %arg13[%get3A_80] {strides = array<i32>} : memref<80xi32, #tpu.memory_space<vmem>>, vector<16xi32>,
      tpu.vector_store_idx %arg16[%get3A_81], %broadcast_in_dim3A_5 {add = true} : memref<10008xf32, #tpu.memory_space<vmem>>[vector<16xi32>], vector<16xf32>,
      %get3A_82 = arith.constant 32 : index
      %get3A_83 = tpu.vector_load %arg13[%get3A_82] {strides = array<i32>} : memref<80xi32, #tpu.memory_space<vmem>>, vector<16xi32>,
      tpu.vector_store_idx %arg16[%get3A_83], %broadcast_in_dim3A_5 {add = true} : memref<10008xf32, #tpu.memory_space<vmem>>[vector<16xi32>], vector<16xf32>,
      %get3A_84 = arith.constant 48 : index
      %get3A_85 = tpu.vector_load %arg13[%get3A_84] {strides = array<i32>} : memref<80xi32, #tpu.memory_space<vmem>>, vector<16xi32>,
      tpu.vector_store_idx %arg16[%get3A_85], %broadcast_in_dim3A_5 {add = true} : memref<10008xf32, #tpu.memory_space<vmem>>[vector<16xi32>], vector<16xf32>,
      %get3A_86 = arith.constant 64 : index
      %get3A_87 = tpu.vector_load %arg13[%get3A_86] {strides = array<i32>} : memref<80xi32, #tpu.memory_space<vmem>>, vector<16xi32>,
      tpu.vector_store_idx %arg16[%get3A_87], %broadcast_in_dim3A_5 {add = true} : memref<10008xf32, #tpu.memory_space<vmem>>[vector<16xi32>], vector<16xf32>,
      "tpu.region"() ({
        %run_scoped3A = tpu.sem_alloc : memref<!tpu.dma_semaphore, #tpu.memory_space<semaphore_mem>>
        %dma_start3A_93 = arith.constant 0 : i32
        %dma_start3A_94 = arith.constant 0 : i32
        %dma_start3A_95 = tpu.memref_slice %arg9[%dma_start3A_93, %dma_start3A_94] : memref<10008x128xf32, #tpu.memory_space<vmem_shared>> -> memref<10008x128xf32, #tpu.memory_space<vmem_shared>>
        tpu.enqueue_indirect_dma source(%arg15 : memref<80x128xf32, #tpu.memory_space<vmem>>) target(%dma_start3A_95 : memref<10008x128xf32, #tpu.memory_space<vmem_shared>>) offsets(%arg13 : memref<80xi32, #tpu.memory_space<vmem>>) semaphore(%run_scoped3A : memref<!tpu.dma_semaphore, #tpu.memory_space<semaphore_mem>>) {add = true}
        %dma_wait3A_96 = arith.constant 0 : i32
        %dma_wait3A_97 = arith.constant 0 : i32
        %dma_wait3A_98 = tpu.memref_slice %arg9[%dma_wait3A_96, %dma_wait3A_97] : memref<10008x128xf32, #tpu.memory_space<vmem_shared>> -> memref<10008x128xf32, #tpu.memory_space<vmem_shared>>
        tpu.wait_indirect_dma semaphore(%run_scoped3A : memref<!tpu.dma_semaphore, #tpu.memory_space<semaphore_mem>>) src(%arg15 : memref<80x128xf32, #tpu.memory_space<vmem>>) dst(%dma_wait3A_98 : memref<10008x128xf32, #tpu.memory_space<vmem_shared>>)
        tpu.yield
      }) : () -> ()
      %lt3A_88 = arith.constant 124 : i32
      %lt3A_89 = arith.cmpi slt, %scan3A_35, %lt3A_88 : i32
      %convert_element_type3A_90 = arith.extui %lt3A_89 : i1 to i32
      %cond3A_91 = arith.constant 0 : i32
      %cond3A_92 = arith.cmpi ne, %convert_element_type3A_90, %cond3A_91 : i32
      scf.if %cond3A_92 {
        %add3A_93 = arith.constant 2 : i32
        %add3A_94 = arith.addi %add3A_69, %add3A_93 : i32
        %mul3A_95 = arith.constant 80 : i32
        %mul3A_96 = arith.muli %add3A_94, %mul3A_95 : i32
        %add3A_97 = arith.addi %add3A, %mul3A_96 : i32
        %dma_start3A_98 = tpu.memref_slice %arg3[%add3A_97] : memref<640000xi32, #tpu.memory_space<hbm>> -> memref<80xi32, #tpu.memory_space<hbm>>
        %dma_start3A_99 = tpu.memref_slice %arg3[%add3A_97] : memref<640000xi32, #tpu.memory_space<hbm>> -> memref<80xi32, #tpu.memory_space<hbm>>
        tpu.enqueue_dma source(%dma_start3A_99 : memref<80xi32, #tpu.memory_space<hbm>>) target(%arg11 : memref<80xi32, #tpu.memory_space<vmem>>) target_semaphore(%arg20 : memref<!tpu.dma_semaphore, #tpu.memory_space<semaphore_mem>>)
        %dma_start3A_100 = tpu.memref_slice %arg4[%add3A_97] : memref<640000xi32, #tpu.memory_space<hbm>> -> memref<80xi32, #tpu.memory_space<hbm>>
        %dma_start3A_101 = tpu.memref_slice %arg4[%add3A_97] : memref<640000xi32, #tpu.memory_space<hbm>> -> memref<80xi32, #tpu.memory_space<hbm>>
        tpu.enqueue_dma source(%dma_start3A_101 : memref<80xi32, #tpu.memory_space<hbm>>) target(%arg13 : memref<80xi32, #tpu.memory_space<vmem>>) target_semaphore(%arg22 : memref<!tpu.dma_semaphore, #tpu.memory_space<semaphore_mem>>)
      } else {
      }
    }
    %scan3A_29 = arith.constant 125 : i32
    %barrier3A_30 = arith.constant 0 : index
    tpu.barrier barrier_id(%barrier3A_30)
    %mul3A_31 = arith.constant 625 : i32
    %mul3A_32 = arith.muli %arg1, %mul3A_31 : i32
    %mul3A_33 = arith.constant 625 : i32
    %mul3A_34 = arith.muli %arg1, %mul3A_33 : i32
    "tpu.region"() ({
      %run_scoped3A = tpu.sem_alloc : memref<!tpu.dma_semaphore, #tpu.memory_space<semaphore_mem>>
      %dma_start3A_35 = arith.constant 0 : i32
      %dma_start3A_36 = tpu.memref_slice %arg7[%arg0, %mul3A_34, %dma_start3A_35] : memref<2x10000x128xf32, #tpu.memory_space<hbm>> -> memref<1x625x128xf32, #tpu.memory_space<hbm>>
      %dma_start3A_37 = tpu.memref_squeeze %dma_start3A_36 : memref<1x625x128xf32, #tpu.memory_space<hbm>> -> memref<625x128xf32, #tpu.memory_space<hbm>>
      %dma_start3A_38 = arith.constant 0 : i32
      %dma_start3A_39 = tpu.memref_slice %arg9[%mul3A_32, %dma_start3A_38] : memref<10008x128xf32, #tpu.memory_space<vmem_shared>> -> memref<625x128xf32, #tpu.memory_space<vmem_shared>>
      tpu.enqueue_dma source(%dma_start3A_39 : memref<625x128xf32, #tpu.memory_space<vmem_shared>>) target(%dma_start3A_37 : memref<625x128xf32, #tpu.memory_space<hbm>>) target_semaphore(%run_scoped3A : memref<!tpu.dma_semaphore, #tpu.memory_space<semaphore_mem>>)
      %dma_wait3A_40 = arith.constant 0 : i32
      %dma_wait3A_41 = tpu.memref_slice %arg7[%arg0, %mul3A_34, %dma_wait3A_40] : memref<2x10000x128xf32, #tpu.memory_space<hbm>> -> memref<1x625x128xf32, #tpu.memory_space<hbm>>
      %dma_wait3A_42 = tpu.memref_squeeze %dma_wait3A_41 : memref<1x625x128xf32, #tpu.memory_space<hbm>> -> memref<625x128xf32, #tpu.memory_space<hbm>>
      %dma_wait3A_43 = arith.constant 0 : i32
      %dma_wait3A_44 = tpu.memref_slice %arg9[%mul3A_32, %dma_wait3A_43] : memref<10008x128xf32, #tpu.memory_space<vmem_shared>> -> memref<625x128xf32, #tpu.memory_space<vmem_shared>>
      tpu.wait_dma2 semaphore(%run_scoped3A : memref<!tpu.dma_semaphore, #tpu.memory_space<semaphore_mem>>) src(%dma_wait3A_44 : memref<625x128xf32, #tpu.memory_space<vmem_shared>>) dst(%dma_wait3A_42 : memref<625x128xf32, #tpu.memory_space<hbm>>)
      tpu.yield
    }) : () -> ()
    "tpu.region"() ({
      %run_scoped3A = tpu.sem_alloc : memref<!tpu.dma_semaphore, #tpu.memory_space<semaphore_mem>>
      %dma_start3A_35 = arith.constant 0 : i32
      %dma_start3A_36 = tpu.memref_slice %arg16[%dma_start3A_35] : memref<10008xf32, #tpu.memory_space<vmem>> -> memref<10000xf32, #tpu.memory_space<vmem>>
      %dma_start3A_37 = arith.constant 0 : i32
      %dma_start3A_38 = tpu.memref_slice %arg8[%arg0, %arg1, %dma_start3A_37] : memref<2x16x10000xf32, #tpu.memory_space<hbm>> -> memref<1x1x10000xf32, #tpu.memory_space<hbm>>
      %dma_start3A_39 = tpu.memref_squeeze %dma_start3A_38 : memref<1x1x10000xf32, #tpu.memory_space<hbm>> -> memref<10000xf32, #tpu.memory_space<hbm>>
      %dma_start3A_40 = arith.constant 0 : i32
      %dma_start3A_41 = tpu.memref_slice %arg8[%arg0, %arg1, %dma_start3A_40] : memref<2x16x10000xf32, #tpu.memory_space<hbm>> -> memref<1x1x10000xf32, #tpu.memory_space<hbm>>
      %dma_start3A_42 = tpu.memref_squeeze %dma_start3A_41 : memref<1x1x10000xf32, #tpu.memory_space<hbm>> -> memref<10000xf32, #tpu.memory_space<hbm>>
      %dma_start3A_43 = arith.constant 0 : i32
      %dma_start3A_44 = tpu.memref_slice %arg16[%dma_start3A_43] : memref<10008xf32, #tpu.memory_space<vmem>> -> memref<10000xf32, #tpu.memory_space<vmem>>
      tpu.enqueue_dma source(%dma_start3A_44 : memref<10000xf32, #tpu.memory_space<vmem>>) target(%dma_start3A_42 : memref<10000xf32, #tpu.memory_space<hbm>>) target_semaphore(%run_scoped3A : memref<!tpu.dma_semaphore, #tpu.memory_space<semaphore_mem>>)
      %dma_wait3A_45 = arith.constant 0 : i32
      %dma_wait3A_46 = tpu.memref_slice %arg16[%dma_wait3A_45] : memref<10008xf32, #tpu.memory_space<vmem>> -> memref<10000xf32, #tpu.memory_space<vmem>>
      %dma_wait3A_47 = arith.constant 0 : i32
      %dma_wait3A_48 = tpu.memref_slice %arg8[%arg0, %arg1, %dma_wait3A_47] : memref<2x16x10000xf32, #tpu.memory_space<hbm>> -> memref<1x1x10000xf32, #tpu.memory_space<hbm>>
      %dma_wait3A_49 = tpu.memref_squeeze %dma_wait3A_48 : memref<1x1x10000xf32, #tpu.memory_space<hbm>> -> memref<10000xf32, #tpu.memory_space<hbm>>
      %dma_wait3A_50 = arith.constant 0 : i32
      %dma_wait3A_51 = tpu.memref_slice %arg8[%arg0, %arg1, %dma_wait3A_50] : memref<2x16x10000xf32, #tpu.memory_space<hbm>> -> memref<1x1x10000xf32, #tpu.memory_space<hbm>>
      %dma_wait3A_52 = tpu.memref_squeeze %dma_wait3A_51 : memref<1x1x10000xf32, #tpu.memory_space<hbm>> -> memref<10000xf32, #tpu.memory_space<hbm>>
      %dma_wait3A_53 = arith.constant 0 : i32
      %dma_wait3A_54 = tpu.memref_slice %arg16[%dma_wait3A_53] : memref<10008xf32, #tpu.memory_space<vmem>> -> memref<10000xf32, #tpu.memory_space<vmem>>
      tpu.wait_dma2 semaphore(%run_scoped3A : memref<!tpu.dma_semaphore, #tpu.memory_space<semaphore_mem>>) src(%dma_wait3A_54 : memref<10000xf32, #tpu.memory_space<vmem>>) dst(%dma_wait3A_52 : memref<10000xf32, #tpu.memory_space<hbm>>)
      tpu.yield
    }) : () -> ()
    return
  }
}

#map = affine_map<(d0, d1) -> (0, 0)>
#map1 = affine_map<(d0, d1) -> (0)>
#map2 = affine_map<(d0, d1) -> (0, 0, 0)>
module attributes {stable_mosaic.version = 14 : i64} {
  func.func @_segsum_body(%arg0: i32, %arg1: i32, %arg2: memref<20000x128xf32, #tpu.memory_space<hbm>>, %arg3: memref<640000xi32, #tpu.memory_space<hbm>>, %arg4: memref<640000xi32, #tpu.memory_space<hbm>>, %arg5: memref<625x128xf32, #tpu.memory_space<hbm>>, %arg6: memref<10000xf32, #tpu.memory_space<hbm>>, %arg7: memref<2x10000x128xf32, #tpu.memory_space<hbm>>, %arg8: memref<2x16x10000xf32, #tpu.memory_space<hbm>>, %arg9: memref<10008x128xf32, #tpu.memory_space<vmem_shared>>, %arg10: memref<80xi32, #tpu.memory_space<vmem>>, %arg11: memref<80xi32, #tpu.memory_space<vmem>>, %arg12: memref<80xi32, #tpu.memory_space<vmem>>, %arg13: memref<80xi32, #tpu.memory_space<vmem>>, %arg14: memref<80x128xf32, #tpu.memory_space<vmem>>, %arg15: memref<80x128xf32, #tpu.memory_space<vmem>>, %arg16: memref<10008xf32, #tpu.memory_space<vmem>>, %arg17: memref<!tpu.dma_semaphore, #tpu.memory_space<semaphore_mem>>, %arg18: memref<!tpu.dma_semaphore, #tpu.memory_space<semaphore_mem>>, %arg19: memref<!tpu.dma_semaphore, #tpu.memory_space<semaphore_mem>>, %arg20: memref<!tpu.dma_semaphore, #tpu.memory_space<semaphore_mem>>, %arg21: memref<!tpu.dma_semaphore, #tpu.memory_space<semaphore_mem>>, %arg22: memref<!tpu.dma_semaphore, #tpu.memory_space<semaphore_mem>>) attributes {dimension_semantics = [#tpu.dimension_semantics<core_parallel>, #tpu.dimension_semantics<subcore_parallel>], iteration_bounds = array<i64: 2, 16>, scalar_prefetch = 0 : i64, scratch_operands = 14 : i64, tpu.core_type = #tpu.core_type<sc_vector_subcore>, window_params = [{transform_indices = #map}, {transform_indices = #map1}, {transform_indices = #map1}, {transform_indices = #map}, {transform_indices = #map1}, {transform_indices = #map2}, {transform_indices = #map2}]} {
    %mul3A = arith.constant 625 : i32
    %mul3A_0 = arith.muli %arg1, %mul3A : i32
    "tpu.region"() ({
      %run_scoped3A = tpu.sem_alloc : memref<!tpu.dma_semaphore, #tpu.memory_space<semaphore_mem>>
      %dma_start3A_35 = arith.constant 0 : i32
      %dma_start3A_36 = tpu.memref_slice %arg9[%mul3A_0, %dma_start3A_35] : memref<10008x128xf32, #tpu.memory_space<vmem_shared>> -> memref<625x128xf32, #tpu.memory_space<vmem_shared>>
      tpu.enqueue_dma source(%arg5 : memref<625x128xf32, #tpu.memory_space<hbm>>) target(%dma_start3A_36 : memref<625x128xf32, #tpu.memory_space<vmem_shared>>) target_semaphore(%run_scoped3A : memref<!tpu.dma_semaphore, #tpu.memory_space<semaphore_mem>>)
      %dma_wait3A_37 = arith.constant 0 : i32
      %dma_wait3A_38 = tpu.memref_slice %arg9[%mul3A_0, %dma_wait3A_37] : memref<10008x128xf32, #tpu.memory_space<vmem_shared>> -> memref<625x128xf32, #tpu.memory_space<vmem_shared>>
      tpu.wait_dma2 semaphore(%run_scoped3A : memref<!tpu.dma_semaphore, #tpu.memory_space<semaphore_mem>>) src(%arg5 : memref<625x128xf32, #tpu.memory_space<hbm>>) dst(%dma_wait3A_38 : memref<625x128xf32, #tpu.memory_space<vmem_shared>>)
      tpu.yield
    }) : () -> ()
    "tpu.region"() ({
      %run_scoped3A = tpu.sem_alloc : memref<!tpu.dma_semaphore, #tpu.memory_space<semaphore_mem>>
      %dma_start3A_35 = arith.constant 0 : i32
      %dma_start3A_36 = tpu.memref_slice %arg16[%dma_start3A_35] : memref<10008xf32, #tpu.memory_space<vmem>> -> memref<10000xf32, #tpu.memory_space<vmem>>
      %dma_start3A_37 = arith.constant 0 : i32
      %dma_start3A_38 = tpu.memref_slice %arg16[%dma_start3A_37] : memref<10008xf32, #tpu.memory_space<vmem>> -> memref<10000xf32, #tpu.memory_space<vmem>>
      tpu.enqueue_dma source(%arg6 : memref<10000xf32, #tpu.memory_space<hbm>>) target(%dma_start3A_38 : memref<10000xf32, #tpu.memory_space<vmem>>) target_semaphore(%run_scoped3A : memref<!tpu.dma_semaphore, #tpu.memory_space<semaphore_mem>>)
      %dma_wait3A_39 = arith.constant 0 : i32
      %dma_wait3A_40 = tpu.memref_slice %arg16[%dma_wait3A_39] : memref<10008xf32, #tpu.memory_space<vmem>> -> memref<10000xf32, #tpu.memory_space<vmem>>
      %dma_wait3A_41 = arith.constant 0 : i32
      %dma_wait3A_42 = tpu.memref_slice %arg16[%dma_wait3A_41] : memref<10008xf32, #tpu.memory_space<vmem>> -> memref<10000xf32, #tpu.memory_space<vmem>>
      tpu.wait_dma2 semaphore(%run_scoped3A : memref<!tpu.dma_semaphore, #tpu.memory_space<semaphore_mem>>) src(%arg6 : memref<10000xf32, #tpu.memory_space<hbm>>) dst(%dma_wait3A_42 : memref<10000xf32, #tpu.memory_space<vmem>>)
      tpu.yield
    }) : () -> ()
    %mul3A_1 = arith.constant 320000 : i32
    %mul3A_2 = arith.muli %arg0, %mul3A_1 : i32
    %mul3A_3 = arith.constant 20000 : i32
    %mul3A_4 = arith.muli %arg1, %mul3A_3 : i32
    %add3A = arith.addi %mul3A_2, %mul3A_4 : i32
    %barrier3A = arith.constant 0 : index
    tpu.barrier barrier_id(%barrier3A)
    %broadcast_in_dim3A = arith.constant 1.000000e+00 : f32
    %broadcast_in_dim3A_5 = vector.broadcast %broadcast_in_dim3A : f32 to vector<16xf32>
    %add3A_6 = arith.constant 0 : i32
    %add3A_7 = arith.addi %add3A, %add3A_6 : i32
    %dma_start3A = tpu.memref_slice %arg3[%add3A_7] : memref<640000xi32, #tpu.memory_space<hbm>> -> memref<80xi32, #tpu.memory_space<hbm>>
    %dma_start3A_8 = tpu.memref_slice %arg3[%add3A_7] : memref<640000xi32, #tpu.memory_space<hbm>> -> memref<80xi32, #tpu.memory_space<hbm>>
    tpu.enqueue_dma source(%dma_start3A_8 : memref<80xi32, #tpu.memory_space<hbm>>) target(%arg10 : memref<80xi32, #tpu.memory_space<vmem>>) target_semaphore(%arg19 : memref<!tpu.dma_semaphore, #tpu.memory_space<semaphore_mem>>)
    %dma_start3A_9 = tpu.memref_slice %arg4[%add3A_7] : memref<640000xi32, #tpu.memory_space<hbm>> -> memref<80xi32, #tpu.memory_space<hbm>>
    %dma_start3A_10 = tpu.memref_slice %arg4[%add3A_7] : memref<640000xi32, #tpu.memory_space<hbm>> -> memref<80xi32, #tpu.memory_space<hbm>>
    tpu.enqueue_dma source(%dma_start3A_10 : memref<80xi32, #tpu.memory_space<hbm>>) target(%arg12 : memref<80xi32, #tpu.memory_space<vmem>>) target_semaphore(%arg21 : memref<!tpu.dma_semaphore, #tpu.memory_space<semaphore_mem>>)
    %add3A_11 = arith.constant 80 : i32
    %add3A_12 = arith.addi %add3A, %add3A_11 : i32
    %dma_start3A_13 = tpu.memref_slice %arg3[%add3A_12] : memref<640000xi32, #tpu.memory_space<hbm>> -> memref<80xi32, #tpu.memory_space<hbm>>
    %dma_start3A_14 = tpu.memref_slice %arg3[%add3A_12] : memref<640000xi32, #tpu.memory_space<hbm>> -> memref<80xi32, #tpu.memory_space<hbm>>
    tpu.enqueue_dma source(%dma_start3A_14 : memref<80xi32, #tpu.memory_space<hbm>>) target(%arg11 : memref<80xi32, #tpu.memory_space<vmem>>) target_semaphore(%arg20 : memref<!tpu.dma_semaphore, #tpu.memory_space<semaphore_mem>>)
    %dma_start3A_15 = tpu.memref_slice %arg4[%add3A_12] : memref<640000xi32, #tpu.memory_space<hbm>> -> memref<80xi32, #tpu.memory_space<hbm>>
    %dma_start3A_16 = tpu.memref_slice %arg4[%add3A_12] : memref<640000xi32, #tpu.memory_space<hbm>> -> memref<80xi32, #tpu.memory_space<hbm>>
    tpu.enqueue_dma source(%dma_start3A_16 : memref<80xi32, #tpu.memory_space<hbm>>) target(%arg13 : memref<80xi32, #tpu.memory_space<vmem>>) target_semaphore(%arg22 : memref<!tpu.dma_semaphore, #tpu.memory_space<semaphore_mem>>)
    %add3A_17 = arith.constant 0 : i32
    %add3A_18 = arith.addi %add3A, %add3A_17 : i32
    %dma_wait3A = tpu.memref_slice %arg3[%add3A_18] : memref<640000xi32, #tpu.memory_space<hbm>> -> memref<80xi32, #tpu.memory_space<hbm>>
    %dma_wait3A_19 = tpu.memref_slice %arg3[%add3A_18] : memref<640000xi32, #tpu.memory_space<hbm>> -> memref<80xi32, #tpu.memory_space<hbm>>
    tpu.wait_dma2 semaphore(%arg19 : memref<!tpu.dma_semaphore, #tpu.memory_space<semaphore_mem>>) src(%dma_wait3A_19 : memref<80xi32, #tpu.memory_space<hbm>>) dst(%arg10 : memref<80xi32, #tpu.memory_space<vmem>>)
    %dma_wait3A_20 = tpu.memref_slice %arg4[%add3A_18] : memref<640000xi32, #tpu.memory_space<hbm>> -> memref<80xi32, #tpu.memory_space<hbm>>
    %dma_wait3A_21 = tpu.memref_slice %arg4[%add3A_18] : memref<640000xi32, #tpu.memory_space<hbm>> -> memref<80xi32, #tpu.memory_space<hbm>>
    tpu.wait_dma2 semaphore(%arg21 : memref<!tpu.dma_semaphore, #tpu.memory_space<semaphore_mem>>) src(%dma_wait3A_21 : memref<80xi32, #tpu.memory_space<hbm>>) dst(%arg12 : memref<80xi32, #tpu.memory_space<vmem>>)
    %dma_start3A_22 = arith.constant 0 : i32
    %dma_start3A_23 = arith.constant 0 : i32
    %dma_start3A_24 = tpu.memref_slice %arg2[%dma_start3A_22, %dma_start3A_23] : memref<20000x128xf32, #tpu.memory_space<hbm>> -> memref<20000x128xf32, #tpu.memory_space<hbm>>
    tpu.enqueue_indirect_dma source(%dma_start3A_24 : memref<20000x128xf32, #tpu.memory_space<hbm>>) target(%arg14 : memref<80x128xf32, #tpu.memory_space<vmem>>) offsets(%arg10 : memref<80xi32, #tpu.memory_space<vmem>>) semaphore(%arg17 : memref<!tpu.dma_semaphore, #tpu.memory_space<semaphore_mem>>)
    %scan3A = arith.constant 0 : i32
    %scan3A_25 = arith.constant 0 : i32
    %scan3A_26 = arith.constant 125 : i32
    %scan3A_27 = arith.addi %scan3A_25, %scan3A_26 : i32
    %scan3A_28 = arith.constant 1 : i32
    scf.for %scan3A_35 = %scan3A_25 to %scan3A_27 step %scan3A_28  : i32 {
      %mul3A_36 = arith.constant 2 : i32
      %mul3A_37 = arith.muli %mul3A_36, %scan3A_35 : i32
      %add3A_38 = arith.constant 0 : i32
      %add3A_39 = arith.addi %mul3A_37, %add3A_38 : i32
      %add3A_40 = arith.constant 1 : i32
      %add3A_41 = arith.addi %add3A_39, %add3A_40 : i32
      %mul3A_42 = arith.constant 80 : i32
      %mul3A_43 = arith.muli %add3A_41, %mul3A_42 : i32
      %add3A_44 = arith.addi %add3A, %mul3A_43 : i32
      %dma_wait3A_45 = tpu.memref_slice %arg3[%add3A_44] : memref<640000xi32, #tpu.memory_space<hbm>> -> memref<80xi32, #tpu.memory_space<hbm>>
      %dma_wait3A_46 = tpu.memref_slice %arg3[%add3A_44] : memref<640000xi32, #tpu.memory_space<hbm>> -> memref<80xi32, #tpu.memory_space<hbm>>
      tpu.wait_dma2 semaphore(%arg20 : memref<!tpu.dma_semaphore, #tpu.memory_space<semaphore_mem>>) src(%dma_wait3A_46 : memref<80xi32, #tpu.memory_space<hbm>>) dst(%arg11 : memref<80xi32, #tpu.memory_space<vmem>>)
      %dma_wait3A_47 = tpu.memref_slice %arg4[%add3A_44] : memref<640000xi32, #tpu.memory_space<hbm>> -> memref<80xi32, #tpu.memory_space<hbm>>
      %dma_wait3A_48 = tpu.memref_slice %arg4[%add3A_44] : memref<640000xi32, #tpu.memory_space<hbm>> -> memref<80xi32, #tpu.memory_space<hbm>>
      tpu.wait_dma2 semaphore(%arg22 : memref<!tpu.dma_semaphore, #tpu.memory_space<semaphore_mem>>) src(%dma_wait3A_48 : memref<80xi32, #tpu.memory_space<hbm>>) dst(%arg13 : memref<80xi32, #tpu.memory_space<vmem>>)
      %add3A_49 = arith.constant 1 : i32
      %add3A_50 = arith.addi %add3A_39, %add3A_49 : i32
      %dma_start3A_51 = arith.constant 0 : i32
      %dma_start3A_52 = arith.constant 0 : i32
      %dma_start3A_53 = tpu.memref_slice %arg2[%dma_start3A_51, %dma_start3A_52] : memref<20000x128xf32, #tpu.memory_space<hbm>> -> memref<20000x128xf32, #tpu.memory_space<hbm>>
      tpu.enqueue_indirect_dma source(%dma_start3A_53 : memref<20000x128xf32, #tpu.memory_space<hbm>>) target(%arg15 : memref<80x128xf32, #tpu.memory_space<vmem>>) offsets(%arg11 : memref<80xi32, #tpu.memory_space<vmem>>) semaphore(%arg18 : memref<!tpu.dma_semaphore, #tpu.memory_space<semaphore_mem>>)
      %dma_wait3A_54 = arith.constant 0 : i32
      %dma_wait3A_55 = arith.constant 0 : i32
      %dma_wait3A_56 = tpu.memref_slice %arg2[%dma_wait3A_54, %dma_wait3A_55] : memref<20000x128xf32, #tpu.memory_space<hbm>> -> memref<20000x128xf32, #tpu.memory_space<hbm>>
      tpu.wait_indirect_dma semaphore(%arg17 : memref<!tpu.dma_semaphore, #tpu.memory_space<semaphore_mem>>) src(%dma_wait3A_56 : memref<20000x128xf32, #tpu.memory_space<hbm>>) dst(%arg14 : memref<80x128xf32, #tpu.memory_space<vmem>>)
      %get3A = arith.constant 0 : index
      %get3A_57 = tpu.vector_load %arg12[%get3A] {strides = array<i32>} : memref<80xi32, #tpu.memory_space<vmem>>, vector<16xi32>,
      tpu.vector_store_idx %arg16[%get3A_57], %broadcast_in_dim3A_5 {add = true} : memref<10008xf32, #tpu.memory_space<vmem>>[vector<16xi32>], vector<16xf32>,
      %get3A_58 = arith.constant 16 : index
      %get3A_59 = tpu.vector_load %arg12[%get3A_58] {strides = array<i32>} : memref<80xi32, #tpu.memory_space<vmem>>, vector<16xi32>,
      tpu.vector_store_idx %arg16[%get3A_59], %broadcast_in_dim3A_5 {add = true} : memref<10008xf32, #tpu.memory_space<vmem>>[vector<16xi32>], vector<16xf32>,
      %get3A_60 = arith.constant 32 : index
      %get3A_61 = tpu.vector_load %arg12[%get3A_60] {strides = array<i32>} : memref<80xi32, #tpu.memory_space<vmem>>, vector<16xi32>,
      tpu.vector_store_idx %arg16[%get3A_61], %broadcast_in_dim3A_5 {add = true} : memref<10008xf32, #tpu.memory_space<vmem>>[vector<16xi32>], vector<16xf32>,
      %get3A_62 = arith.constant 48 : index
      %get3A_63 = tpu.vector_load %arg12[%get3A_62] {strides = array<i32>} : memref<80xi32, #tpu.memory_space<vmem>>, vector<16xi32>,
      tpu.vector_store_idx %arg16[%get3A_63], %broadcast_in_dim3A_5 {add = true} : memref<10008xf32, #tpu.memory_space<vmem>>[vector<16xi32>], vector<16xf32>,
      %get3A_64 = arith.constant 64 : index
      %get3A_65 = tpu.vector_load %arg12[%get3A_64] {strides = array<i32>} : memref<80xi32, #tpu.memory_space<vmem>>, vector<16xi32>,
      tpu.vector_store_idx %arg16[%get3A_65], %broadcast_in_dim3A_5 {add = true} : memref<10008xf32, #tpu.memory_space<vmem>>[vector<16xi32>], vector<16xf32>,
      "tpu.region"() ({
        %run_scoped3A = tpu.sem_alloc : memref<!tpu.dma_semaphore, #tpu.memory_space<semaphore_mem>>
        %dma_start3A_93 = arith.constant 0 : i32
        %dma_start3A_94 = arith.constant 0 : i32
        %dma_start3A_95 = tpu.memref_slice %arg9[%dma_start3A_93, %dma_start3A_94] : memref<10008x128xf32, #tpu.memory_space<vmem_shared>> -> memref<10008x128xf32, #tpu.memory_space<vmem_shared>>
        tpu.enqueue_indirect_dma source(%arg14 : memref<80x128xf32, #tpu.memory_space<vmem>>) target(%dma_start3A_95 : memref<10008x128xf32, #tpu.memory_space<vmem_shared>>) offsets(%arg12 : memref<80xi32, #tpu.memory_space<vmem>>) semaphore(%run_scoped3A : memref<!tpu.dma_semaphore, #tpu.memory_space<semaphore_mem>>) {add = true}
        %dma_wait3A_96 = arith.constant 0 : i32
        %dma_wait3A_97 = arith.constant 0 : i32
        %dma_wait3A_98 = tpu.memref_slice %arg9[%dma_wait3A_96, %dma_wait3A_97] : memref<10008x128xf32, #tpu.memory_space<vmem_shared>> -> memref<10008x128xf32, #tpu.memory_space<vmem_shared>>
        tpu.wait_indirect_dma semaphore(%run_scoped3A : memref<!tpu.dma_semaphore, #tpu.memory_space<semaphore_mem>>) src(%arg14 : memref<80x128xf32, #tpu.memory_space<vmem>>) dst(%dma_wait3A_98 : memref<10008x128xf32, #tpu.memory_space<vmem_shared>>)
        tpu.yield
      }) : () -> ()
      %lt3A = arith.constant 124 : i32
      %lt3A_66 = arith.cmpi slt, %scan3A_35, %lt3A : i32
      %convert_element_type3A = arith.extui %lt3A_66 : i1 to i32
      %cond3A = arith.constant 0 : i32
      %cond3A_67 = arith.cmpi ne, %convert_element_type3A, %cond3A : i32
      scf.if %cond3A_67 {
        %add3A_93 = arith.constant 2 : i32
        %add3A_94 = arith.addi %add3A_39, %add3A_93 : i32
        %mul3A_95 = arith.constant 80 : i32
        %mul3A_96 = arith.muli %add3A_94, %mul3A_95 : i32
        %add3A_97 = arith.addi %add3A, %mul3A_96 : i32
        %dma_start3A_98 = tpu.memref_slice %arg3[%add3A_97] : memref<640000xi32, #tpu.memory_space<hbm>> -> memref<80xi32, #tpu.memory_space<hbm>>
        %dma_start3A_99 = tpu.memref_slice %arg3[%add3A_97] : memref<640000xi32, #tpu.memory_space<hbm>> -> memref<80xi32, #tpu.memory_space<hbm>>
        tpu.enqueue_dma source(%dma_start3A_99 : memref<80xi32, #tpu.memory_space<hbm>>) target(%arg10 : memref<80xi32, #tpu.memory_space<vmem>>) target_semaphore(%arg19 : memref<!tpu.dma_semaphore, #tpu.memory_space<semaphore_mem>>)
        %dma_start3A_100 = tpu.memref_slice %arg4[%add3A_97] : memref<640000xi32, #tpu.memory_space<hbm>> -> memref<80xi32, #tpu.memory_space<hbm>>
        %dma_start3A_101 = tpu.memref_slice %arg4[%add3A_97] : memref<640000xi32, #tpu.memory_space<hbm>> -> memref<80xi32, #tpu.memory_space<hbm>>
        tpu.enqueue_dma source(%dma_start3A_101 : memref<80xi32, #tpu.memory_space<hbm>>) target(%arg12 : memref<80xi32, #tpu.memory_space<vmem>>) target_semaphore(%arg21 : memref<!tpu.dma_semaphore, #tpu.memory_space<semaphore_mem>>)
      } else {
      }
      %add3A_68 = arith.constant 1 : i32
      %add3A_69 = arith.addi %mul3A_37, %add3A_68 : i32
      %lt3A_70 = arith.constant 124 : i32
      %lt3A_71 = arith.cmpi slt, %scan3A_35, %lt3A_70 : i32
      %convert_element_type3A_72 = arith.extui %lt3A_71 : i1 to i32
      %cond3A_73 = arith.constant 0 : i32
      %cond3A_74 = arith.cmpi ne, %convert_element_type3A_72, %cond3A_73 : i32
      scf.if %cond3A_74 {
        %add3A_93 = arith.constant 1 : i32
        %add3A_94 = arith.addi %add3A_69, %add3A_93 : i32
        %mul3A_95 = arith.constant 80 : i32
        %mul3A_96 = arith.muli %add3A_94, %mul3A_95 : i32
        %add3A_97 = arith.addi %add3A, %mul3A_96 : i32
        %dma_wait3A_98 = tpu.memref_slice %arg3[%add3A_97] : memref<640000xi32, #tpu.memory_space<hbm>> -> memref<80xi32, #tpu.memory_space<hbm>>
        %dma_wait3A_99 = tpu.memref_slice %arg3[%add3A_97] : memref<640000xi32, #tpu.memory_space<hbm>> -> memref<80xi32, #tpu.memory_space<hbm>>
        tpu.wait_dma2 semaphore(%arg19 : memref<!tpu.dma_semaphore, #tpu.memory_space<semaphore_mem>>) src(%dma_wait3A_99 : memref<80xi32, #tpu.memory_space<hbm>>) dst(%arg10 : memref<80xi32, #tpu.memory_space<vmem>>)
        %dma_wait3A_100 = tpu.memref_slice %arg4[%add3A_97] : memref<640000xi32, #tpu.memory_space<hbm>> -> memref<80xi32, #tpu.memory_space<hbm>>
        %dma_wait3A_101 = tpu.memref_slice %arg4[%add3A_97] : memref<640000xi32, #tpu.memory_space<hbm>> -> memref<80xi32, #tpu.memory_space<hbm>>
        tpu.wait_dma2 semaphore(%arg21 : memref<!tpu.dma_semaphore, #tpu.memory_space<semaphore_mem>>) src(%dma_wait3A_101 : memref<80xi32, #tpu.memory_space<hbm>>) dst(%arg12 : memref<80xi32, #tpu.memory_space<vmem>>)
        %add3A_102 = arith.constant 1 : i32
        %add3A_103 = arith.addi %add3A_69, %add3A_102 : i32
        %dma_start3A_104 = arith.constant 0 : i32
        %dma_start3A_105 = arith.constant 0 : i32
        %dma_start3A_106 = tpu.memref_slice %arg2[%dma_start3A_104, %dma_start3A_105] : memref<20000x128xf32, #tpu.memory_space<hbm>> -> memref<20000x128xf32, #tpu.memory_space<hbm>>
        tpu.enqueue_indirect_dma source(%dma_start3A_106 : memref<20000x128xf32, #tpu.memory_space<hbm>>) target(%arg14 : memref<80x128xf32, #tpu.memory_space<vmem>>) offsets(%arg10 : memref<80xi32, #tpu.memory_space<vmem>>) semaphore(%arg17 : memref<!tpu.dma_semaphore, #tpu.memory_space<semaphore_mem>>)
      } else {
      }
      %dma_wait3A_75 = arith.constant 0 : i32
      %dma_wait3A_76 = arith.constant 0 : i32
      %dma_wait3A_77 = tpu.memref_slice %arg2[%dma_wait3A_75, %dma_wait3A_76] : memref<20000x128xf32, #tpu.memory_space<hbm>> -> memref<20000x128xf32, #tpu.memory_space<hbm>>
      tpu.wait_indirect_dma semaphore(%arg18 : memref<!tpu.dma_semaphore, #tpu.memory_space<semaphore_mem>>) src(%dma_wait3A_77 : memref<20000x128xf32, #tpu.memory_space<hbm>>) dst(%arg15 : memref<80x128xf32, #tpu.memory_space<vmem>>)
      %get3A_78 = arith.constant 0 : index
      %get3A_79 = tpu.vector_load %arg13[%get3A_78] {strides = array<i32>} : memref<80xi32, #tpu.memory_space<vmem>>, vector<16xi32>,
      tpu.vector_store_idx %arg16[%get3A_79], %broadcast_in_dim3A_5 {add = true} : memref<10008xf32, #tpu.memory_space<vmem>>[vector<16xi32>], vector<16xf32>,
      %get3A_80 = arith.constant 16 : index
      %get3A_81 = tpu.vector_load %arg13[%get3A_80] {strides = array<i32>} : memref<80xi32, #tpu.memory_space<vmem>>, vector<16xi32>,
      tpu.vector_store_idx %arg16[%get3A_81], %broadcast_in_dim3A_5 {add = true} : memref<10008xf32, #tpu.memory_space<vmem>>[vector<16xi32>], vector<16xf32>,
      %get3A_82 = arith.constant 32 : index
      %get3A_83 = tpu.vector_load %arg13[%get3A_82] {strides = array<i32>} : memref<80xi32, #tpu.memory_space<vmem>>, vector<16xi32>,
      tpu.vector_store_idx %arg16[%get3A_83], %broadcast_in_dim3A_5 {add = true} : memref<10008xf32, #tpu.memory_space<vmem>>[vector<16xi32>], vector<16xf32>,
      %get3A_84 = arith.constant 48 : index
      %get3A_85 = tpu.vector_load %arg13[%get3A_84] {strides = array<i32>} : memref<80xi32, #tpu.memory_space<vmem>>, vector<16xi32>,
      tpu.vector_store_idx %arg16[%get3A_85], %broadcast_in_dim3A_5 {add = true} : memref<10008xf32, #tpu.memory_space<vmem>>[vector<16xi32>], vector<16xf32>,
      %get3A_86 = arith.constant 64 : index
      %get3A_87 = tpu.vector_load %arg13[%get3A_86] {strides = array<i32>} : memref<80xi32, #tpu.memory_space<vmem>>, vector<16xi32>,
      tpu.vector_store_idx %arg16[%get3A_87], %broadcast_in_dim3A_5 {add = true} : memref<10008xf32, #tpu.memory_space<vmem>>[vector<16xi32>], vector<16xf32>,
      "tpu.region"() ({
        %run_scoped3A = tpu.sem_alloc : memref<!tpu.dma_semaphore, #tpu.memory_space<semaphore_mem>>
        %dma_start3A_93 = arith.constant 0 : i32
        %dma_start3A_94 = arith.constant 0 : i32
        %dma_start3A_95 = tpu.memref_slice %arg9[%dma_start3A_93, %dma_start3A_94] : memref<10008x128xf32, #tpu.memory_space<vmem_shared>> -> memref<10008x128xf32, #tpu.memory_space<vmem_shared>>
        tpu.enqueue_indirect_dma source(%arg15 : memref<80x128xf32, #tpu.memory_space<vmem>>) target(%dma_start3A_95 : memref<10008x128xf32, #tpu.memory_space<vmem_shared>>) offsets(%arg13 : memref<80xi32, #tpu.memory_space<vmem>>) semaphore(%run_scoped3A : memref<!tpu.dma_semaphore, #tpu.memory_space<semaphore_mem>>) {add = true}
        %dma_wait3A_96 = arith.constant 0 : i32
        %dma_wait3A_97 = arith.constant 0 : i32
        %dma_wait3A_98 = tpu.memref_slice %arg9[%dma_wait3A_96, %dma_wait3A_97] : memref<10008x128xf32, #tpu.memory_space<vmem_shared>> -> memref<10008x128xf32, #tpu.memory_space<vmem_shared>>
        tpu.wait_indirect_dma semaphore(%run_scoped3A : memref<!tpu.dma_semaphore, #tpu.memory_space<semaphore_mem>>) src(%arg15 : memref<80x128xf32, #tpu.memory_space<vmem>>) dst(%dma_wait3A_98 : memref<10008x128xf32, #tpu.memory_space<vmem_shared>>)
        tpu.yield
      }) : () -> ()
      %lt3A_88 = arith.constant 124 : i32
      %lt3A_89 = arith.cmpi slt, %scan3A_35, %lt3A_88 : i32
      %convert_element_type3A_90 = arith.extui %lt3A_89 : i1 to i32
      %cond3A_91 = arith.constant 0 : i32
      %cond3A_92 = arith.cmpi ne, %convert_element_type3A_90, %cond3A_91 : i32
      scf.if %cond3A_92 {
        %add3A_93 = arith.constant 2 : i32
        %add3A_94 = arith.addi %add3A_69, %add3A_93 : i32
        %mul3A_95 = arith.constant 80 : i32
        %mul3A_96 = arith.muli %add3A_94, %mul3A_95 : i32
        %add3A_97 = arith.addi %add3A, %mul3A_96 : i32
        %dma_start3A_98 = tpu.memref_slice %arg3[%add3A_97] : memref<640000xi32, #tpu.memory_space<hbm>> -> memref<80xi32, #tpu.memory_space<hbm>>
        %dma_start3A_99 = tpu.memref_slice %arg3[%add3A_97] : memref<640000xi32, #tpu.memory_space<hbm>> -> memref<80xi32, #tpu.memory_space<hbm>>
        tpu.enqueue_dma source(%dma_start3A_99 : memref<80xi32, #tpu.memory_space<hbm>>) target(%arg11 : memref<80xi32, #tpu.memory_space<vmem>>) target_semaphore(%arg20 : memref<!tpu.dma_semaphore, #tpu.memory_space<semaphore_mem>>)
        %dma_start3A_100 = tpu.memref_slice %arg4[%add3A_97] : memref<640000xi32, #tpu.memory_space<hbm>> -> memref<80xi32, #tpu.memory_space<hbm>>
        %dma_start3A_101 = tpu.memref_slice %arg4[%add3A_97] : memref<640000xi32, #tpu.memory_space<hbm>> -> memref<80xi32, #tpu.memory_space<hbm>>
        tpu.enqueue_dma source(%dma_start3A_101 : memref<80xi32, #tpu.memory_space<hbm>>) target(%arg13 : memref<80xi32, #tpu.memory_space<vmem>>) target_semaphore(%arg22 : memref<!tpu.dma_semaphore, #tpu.memory_space<semaphore_mem>>)
      } else {
      }
    }
    %scan3A_29 = arith.constant 125 : i32
    %barrier3A_30 = arith.constant 0 : index
    tpu.barrier barrier_id(%barrier3A_30)
    %mul3A_31 = arith.constant 625 : i32
    %mul3A_32 = arith.muli %arg1, %mul3A_31 : i32
    %mul3A_33 = arith.constant 625 : i32
    %mul3A_34 = arith.muli %arg1, %mul3A_33 : i32
    "tpu.region"() ({
      %run_scoped3A = tpu.sem_alloc : memref<!tpu.dma_semaphore, #tpu.memory_space<semaphore_mem>>
      %dma_start3A_35 = arith.constant 0 : i32
      %dma_start3A_36 = tpu.memref_slice %arg7[%arg0, %mul3A_34, %dma_start3A_35] : memref<2x10000x128xf32, #tpu.memory_space<hbm>> -> memref<1x625x128xf32, #tpu.memory_space<hbm>>
      %dma_start3A_37 = tpu.memref_squeeze %dma_start3A_36 : memref<1x625x128xf32, #tpu.memory_space<hbm>> -> memref<625x128xf32, #tpu.memory_space<hbm>>
      %dma_start3A_38 = arith.constant 0 : i32
      %dma_start3A_39 = tpu.memref_slice %arg9[%mul3A_32, %dma_start3A_38] : memref<10008x128xf32, #tpu.memory_space<vmem_shared>> -> memref<625x128xf32, #tpu.memory_space<vmem_shared>>
      tpu.enqueue_dma source(%dma_start3A_39 : memref<625x128xf32, #tpu.memory_space<vmem_shared>>) target(%dma_start3A_37 : memref<625x128xf32, #tpu.memory_space<hbm>>) target_semaphore(%run_scoped3A : memref<!tpu.dma_semaphore, #tpu.memory_space<semaphore_mem>>)
      %dma_wait3A_40 = arith.constant 0 : i32
      %dma_wait3A_41 = tpu.memref_slice %arg7[%arg0, %mul3A_34, %dma_wait3A_40] : memref<2x10000x128xf32, #tpu.memory_space<hbm>> -> memref<1x625x128xf32, #tpu.memory_space<hbm>>
      %dma_wait3A_42 = tpu.memref_squeeze %dma_wait3A_41 : memref<1x625x128xf32, #tpu.memory_space<hbm>> -> memref<625x128xf32, #tpu.memory_space<hbm>>
      %dma_wait3A_43 = arith.constant 0 : i32
      %dma_wait3A_44 = tpu.memref_slice %arg9[%mul3A_32, %dma_wait3A_43] : memref<10008x128xf32, #tpu.memory_space<vmem_shared>> -> memref<625x128xf32, #tpu.memory_space<vmem_shared>>
      tpu.wait_dma2 semaphore(%run_scoped3A : memref<!tpu.dma_semaphore, #tpu.memory_space<semaphore_mem>>) src(%dma_wait3A_44 : memref<625x128xf32, #tpu.memory_space<vmem_shared>>) dst(%dma_wait3A_42 : memref<625x128xf32, #tpu.memory_space<hbm>>)
      tpu.yield
    }) : () -> ()
    "tpu.region"() ({
      %run_scoped3A = tpu.sem_alloc : memref<!tpu.dma_semaphore, #tpu.memory_space<semaphore_mem>>
      %dma_start3A_35 = arith.constant 0 : i32
      %dma_start3A_36 = tpu.memref_slice %arg16[%dma_start3A_35] : memref<10008xf32, #tpu.memory_space<vmem>> -> memref<10000xf32, #tpu.memory_space<vmem>>
      %dma_start3A_37 = arith.constant 0 : i32
      %dma_start3A_38 = tpu.memref_slice %arg8[%arg0, %arg1, %dma_start3A_37] : memref<2x16x10000xf32, #tpu.memory_space<hbm>> -> memref<1x1x10000xf32, #tpu.memory_space<hbm>>
      %dma_start3A_39 = tpu.memref_squeeze %dma_start3A_38 : memref<1x1x10000xf32, #tpu.memory_space<hbm>> -> memref<10000xf32, #tpu.memory_space<hbm>>
      %dma_start3A_40 = arith.constant 0 : i32
      %dma_start3A_41 = tpu.memref_slice %arg8[%arg0, %arg1, %dma_start3A_40] : memref<2x16x10000xf32, #tpu.memory_space<hbm>> -> memref<1x1x10000xf32, #tpu.memory_space<hbm>>
      %dma_start3A_42 = tpu.memref_squeeze %dma_start3A_41 : memref<1x1x10000xf32, #tpu.memory_space<hbm>> -> memref<10000xf32, #tpu.memory_space<hbm>>
      %dma_start3A_43 = arith.constant 0 : i32
      %dma_start3A_44 = tpu.memref_slice %arg16[%dma_start3A_43] : memref<10008xf32, #tpu.memory_space<vmem>> -> memref<10000xf32, #tpu.memory_space<vmem>>
      tpu.enqueue_dma source(%dma_start3A_44 : memref<10000xf32, #tpu.memory_space<vmem>>) target(%dma_start3A_42 : memref<10000xf32, #tpu.memory_space<hbm>>) target_semaphore(%run_scoped3A : memref<!tpu.dma_semaphore, #tpu.memory_space<semaphore_mem>>)
      %dma_wait3A_45 = arith.constant 0 : i32
      %dma_wait3A_46 = tpu.memref_slice %arg16[%dma_wait3A_45] : memref<10008xf32, #tpu.memory_space<vmem>> -> memref<10000xf32, #tpu.memory_space<vmem>>
      %dma_wait3A_47 = arith.constant 0 : i32
      %dma_wait3A_48 = tpu.memref_slice %arg8[%arg0, %arg1, %dma_wait3A_47] : memref<2x16x10000xf32, #tpu.memory_space<hbm>> -> memref<1x1x10000xf32, #tpu.memory_space<hbm>>
      %dma_wait3A_49 = tpu.memref_squeeze %dma_wait3A_48 : memref<1x1x10000xf32, #tpu.memory_space<hbm>> -> memref<10000xf32, #tpu.memory_space<hbm>>
      %dma_wait3A_50 = arith.constant 0 : i32
      %dma_wait3A_51 = tpu.memref_slice %arg8[%arg0, %arg1, %dma_wait3A_50] : memref<2x16x10000xf32, #tpu.memory_space<hbm>> -> memref<1x1x10000xf32, #tpu.memory_space<hbm>>
      %dma_wait3A_52 = tpu.memref_squeeze %dma_wait3A_51 : memref<1x1x10000xf32, #tpu.memory_space<hbm>> -> memref<10000xf32, #tpu.memory_space<hbm>>
      %dma_wait3A_53 = arith.constant 0 : i32
      %dma_wait3A_54 = tpu.memref_slice %arg16[%dma_wait3A_53] : memref<10008xf32, #tpu.memory_space<vmem>> -> memref<10000xf32, #tpu.memory_space<vmem>>
      tpu.wait_dma2 semaphore(%run_scoped3A : memref<!tpu.dma_semaphore, #tpu.memory_space<semaphore_mem>>) src(%dma_wait3A_54 : memref<10000xf32, #tpu.memory_space<vmem>>) dst(%dma_wait3A_52 : memref<10000xf32, #tpu.memory_space<hbm>>)
      tpu.yield
    }) : () -> ()
    return
  }
}

#map = affine_map<(d0, d1) -> (0, 0)>
#map1 = affine_map<(d0, d1) -> (0)>
module attributes {stable_mosaic.version = 14 : i64} {
  func.func @_vgather_body(%arg0: i32, %arg1: i32, %arg2: memref<20000x128xf32, #tpu.memory_space<hbm>>, %arg3: memref<20480xi32, #tpu.memory_space<hbm>>, %arg4: memref<20480x128xf32, #tpu.memory_space<hbm>>, %arg5: memref<640xi32, #tpu.memory_space<vmem>>, %arg6: memref<80x128xf32, #tpu.memory_space<vmem>>, %arg7: memref<80x128xf32, #tpu.memory_space<vmem>>, %arg8: memref<!tpu.dma_semaphore, #tpu.memory_space<semaphore_mem>>, %arg9: memref<!tpu.dma_semaphore, #tpu.memory_space<semaphore_mem>>) attributes {dimension_semantics = [#tpu.dimension_semantics<core_parallel>, #tpu.dimension_semantics<subcore_parallel>], iteration_bounds = array<i64: 2, 16>, scalar_prefetch = 0 : i64, scratch_operands = 5 : i64, tpu.core_type = #tpu.core_type<sc_vector_subcore>, window_params = [{transform_indices = #map}, {transform_indices = #map1}, {transform_indices = #map}]} {
    %mul3A = arith.constant 2 : i32
    %mul3A_0 = arith.muli %arg1, %mul3A : i32
    %add3A = arith.addi %mul3A_0, %arg0 : i32
    %mul3A_1 = arith.constant 640 : i32
    %mul3A_2 = arith.muli %add3A, %mul3A_1 : i32
    "tpu.region"() ({
      %run_scoped3A = tpu.sem_alloc : memref<!tpu.dma_semaphore, #tpu.memory_space<semaphore_mem>>
      %dma_start3A_97 = tpu.memref_slice %arg3[%mul3A_2] : memref<20480xi32, #tpu.memory_space<hbm>> -> memref<640xi32, #tpu.memory_space<hbm>>
      %dma_start3A_98 = tpu.memref_slice %arg3[%mul3A_2] : memref<20480xi32, #tpu.memory_space<hbm>> -> memref<640xi32, #tpu.memory_space<hbm>>
      tpu.enqueue_dma source(%dma_start3A_98 : memref<640xi32, #tpu.memory_space<hbm>>) target(%arg5 : memref<640xi32, #tpu.memory_space<vmem>>) target_semaphore(%run_scoped3A : memref<!tpu.dma_semaphore, #tpu.memory_space<semaphore_mem>>)
      %dma_wait3A_99 = tpu.memref_slice %arg3[%mul3A_2] : memref<20480xi32, #tpu.memory_space<hbm>> -> memref<640xi32, #tpu.memory_space<hbm>>
      %dma_wait3A_100 = tpu.memref_slice %arg3[%mul3A_2] : memref<20480xi32, #tpu.memory_space<hbm>> -> memref<640xi32, #tpu.memory_space<hbm>>
      tpu.wait_dma2 semaphore(%run_scoped3A : memref<!tpu.dma_semaphore, #tpu.memory_space<semaphore_mem>>) src(%dma_wait3A_100 : memref<640xi32, #tpu.memory_space<hbm>>) dst(%arg5 : memref<640xi32, #tpu.memory_space<vmem>>)
      tpu.yield
    }) : () -> ()
    %dma_start3A = arith.constant 0 : i32
    %dma_start3A_3 = tpu.memref_slice %arg5[%dma_start3A] : memref<640xi32, #tpu.memory_space<vmem>> -> memref<80xi32, #tpu.memory_space<vmem>>
    %dma_start3A_4 = arith.constant 0 : i32
    %dma_start3A_5 = arith.constant 0 : i32
    %dma_start3A_6 = tpu.memref_slice %arg2[%dma_start3A_4, %dma_start3A_5] : memref<20000x128xf32, #tpu.memory_space<hbm>> -> memref<20000x128xf32, #tpu.memory_space<hbm>>
    tpu.enqueue_indirect_dma source(%dma_start3A_6 : memref<20000x128xf32, #tpu.memory_space<hbm>>) target(%arg6 : memref<80x128xf32, #tpu.memory_space<vmem>>) offsets(%dma_start3A_3 : memref<80xi32, #tpu.memory_space<vmem>>) semaphore(%arg8 : memref<!tpu.dma_semaphore, #tpu.memory_space<semaphore_mem>>)
    %dma_start3A_7 = arith.constant 80 : i32
    %dma_start3A_8 = tpu.memref_slice %arg5[%dma_start3A_7] : memref<640xi32, #tpu.memory_space<vmem>> -> memref<80xi32, #tpu.memory_space<vmem>>
    %dma_start3A_9 = arith.constant 0 : i32
    %dma_start3A_10 = arith.constant 0 : i32
    %dma_start3A_11 = tpu.memref_slice %arg2[%dma_start3A_9, %dma_start3A_10] : memref<20000x128xf32, #tpu.memory_space<hbm>> -> memref<20000x128xf32, #tpu.memory_space<hbm>>
    tpu.enqueue_indirect_dma source(%dma_start3A_11 : memref<20000x128xf32, #tpu.memory_space<hbm>>) target(%arg7 : memref<80x128xf32, #tpu.memory_space<vmem>>) offsets(%dma_start3A_8 : memref<80xi32, #tpu.memory_space<vmem>>) semaphore(%arg9 : memref<!tpu.dma_semaphore, #tpu.memory_space<semaphore_mem>>)
    %dma_wait3A = arith.constant 0 : i32
    %dma_wait3A_12 = tpu.memref_slice %arg5[%dma_wait3A] : memref<640xi32, #tpu.memory_space<vmem>> -> memref<80xi32, #tpu.memory_space<vmem>>
    %dma_wait3A_13 = arith.constant 0 : i32
    %dma_wait3A_14 = arith.constant 0 : i32
    %dma_wait3A_15 = tpu.memref_slice %arg2[%dma_wait3A_13, %dma_wait3A_14] : memref<20000x128xf32, #tpu.memory_space<hbm>> -> memref<20000x128xf32, #tpu.memory_space<hbm>>
    tpu.wait_indirect_dma semaphore(%arg8 : memref<!tpu.dma_semaphore, #tpu.memory_space<semaphore_mem>>) src(%dma_wait3A_15 : memref<20000x128xf32, #tpu.memory_space<hbm>>) dst(%arg6 : memref<80x128xf32, #tpu.memory_space<vmem>>)
    %add3A_16 = arith.constant 0 : i32
    %add3A_17 = arith.addi %mul3A_2, %add3A_16 : i32
    "tpu.region"() ({
      %run_scoped3A = tpu.sem_alloc : memref<!tpu.dma_semaphore, #tpu.memory_space<semaphore_mem>>
      %dma_start3A_97 = arith.constant 0 : i32
      %dma_start3A_98 = tpu.memref_slice %arg4[%add3A_17, %dma_start3A_97] : memref<20480x128xf32, #tpu.memory_space<hbm>> -> memref<80x128xf32, #tpu.memory_space<hbm>>
      %dma_start3A_99 = arith.constant 0 : i32
      %dma_start3A_100 = tpu.memref_slice %arg4[%add3A_17, %dma_start3A_99] : memref<20480x128xf32, #tpu.memory_space<hbm>> -> memref<80x128xf32, #tpu.memory_space<hbm>>
      tpu.enqueue_dma source(%arg6 : memref<80x128xf32, #tpu.memory_space<vmem>>) target(%dma_start3A_100 : memref<80x128xf32, #tpu.memory_space<hbm>>) target_semaphore(%run_scoped3A : memref<!tpu.dma_semaphore, #tpu.memory_space<semaphore_mem>>)
      %dma_wait3A_101 = arith.constant 0 : i32
      %dma_wait3A_102 = tpu.memref_slice %arg4[%add3A_17, %dma_wait3A_101] : memref<20480x128xf32, #tpu.memory_space<hbm>> -> memref<80x128xf32, #tpu.memory_space<hbm>>
      %dma_wait3A_103 = arith.constant 0 : i32
      %dma_wait3A_104 = tpu.memref_slice %arg4[%add3A_17, %dma_wait3A_103] : memref<20480x128xf32, #tpu.memory_space<hbm>> -> memref<80x128xf32, #tpu.memory_space<hbm>>
      tpu.wait_dma2 semaphore(%run_scoped3A : memref<!tpu.dma_semaphore, #tpu.memory_space<semaphore_mem>>) src(%arg6 : memref<80x128xf32, #tpu.memory_space<vmem>>) dst(%dma_wait3A_104 : memref<80x128xf32, #tpu.memory_space<hbm>>)
      tpu.yield
    }) : () -> ()
    %dma_start3A_18 = arith.constant 160 : i32
    %dma_start3A_19 = tpu.memref_slice %arg5[%dma_start3A_18] : memref<640xi32, #tpu.memory_space<vmem>> -> memref<80xi32, #tpu.memory_space<vmem>>
    %dma_start3A_20 = arith.constant 0 : i32
    %dma_start3A_21 = arith.constant 0 : i32
    %dma_start3A_22 = tpu.memref_slice %arg2[%dma_start3A_20, %dma_start3A_21] : memref<20000x128xf32, #tpu.memory_space<hbm>> -> memref<20000x128xf32, #tpu.memory_space<hbm>>
    tpu.enqueue_indirect_dma source(%dma_start3A_22 : memref<20000x128xf32, #tpu.memory_space<hbm>>) target(%arg6 : memref<80x128xf32, #tpu.memory_space<vmem>>) offsets(%dma_start3A_19 : memref<80xi32, #tpu.memory_space<vmem>>) semaphore(%arg8 : memref<!tpu.dma_semaphore, #tpu.memory_space<semaphore_mem>>)
    %dma_wait3A_23 = arith.constant 80 : i32
    %dma_wait3A_24 = tpu.memref_slice %arg5[%dma_wait3A_23] : memref<640xi32, #tpu.memory_space<vmem>> -> memref<80xi32, #tpu.memory_space<vmem>>
    %dma_wait3A_25 = arith.constant 0 : i32
    %dma_wait3A_26 = arith.constant 0 : i32
    %dma_wait3A_27 = tpu.memref_slice %arg2[%dma_wait3A_25, %dma_wait3A_26] : memref<20000x128xf32, #tpu.memory_space<hbm>> -> memref<20000x128xf32, #tpu.memory_space<hbm>>
    tpu.wait_indirect_dma semaphore(%arg9 : memref<!tpu.dma_semaphore, #tpu.memory_space<semaphore_mem>>) src(%dma_wait3A_27 : memref<20000x128xf32, #tpu.memory_space<hbm>>) dst(%arg7 : memref<80x128xf32, #tpu.memory_space<vmem>>)
    %add3A_28 = arith.constant 80 : i32
    %add3A_29 = arith.addi %mul3A_2, %add3A_28 : i32
    "tpu.region"() ({
      %run_scoped3A = tpu.sem_alloc : memref<!tpu.dma_semaphore, #tpu.memory_space<semaphore_mem>>
      %dma_start3A_97 = arith.constant 0 : i32
      %dma_start3A_98 = tpu.memref_slice %arg4[%add3A_29, %dma_start3A_97] : memref<20480x128xf32, #tpu.memory_space<hbm>> -> memref<80x128xf32, #tpu.memory_space<hbm>>
      %dma_start3A_99 = arith.constant 0 : i32
      %dma_start3A_100 = tpu.memref_slice %arg4[%add3A_29, %dma_start3A_99] : memref<20480x128xf32, #tpu.memory_space<hbm>> -> memref<80x128xf32, #tpu.memory_space<hbm>>
      tpu.enqueue_dma source(%arg7 : memref<80x128xf32, #tpu.memory_space<vmem>>) target(%dma_start3A_100 : memref<80x128xf32, #tpu.memory_space<hbm>>) target_semaphore(%run_scoped3A : memref<!tpu.dma_semaphore, #tpu.memory_space<semaphore_mem>>)
      %dma_wait3A_101 = arith.constant 0 : i32
      %dma_wait3A_102 = tpu.memref_slice %arg4[%add3A_29, %dma_wait3A_101] : memref<20480x128xf32, #tpu.memory_space<hbm>> -> memref<80x128xf32, #tpu.memory_space<hbm>>
      %dma_wait3A_103 = arith.constant 0 : i32
      %dma_wait3A_104 = tpu.memref_slice %arg4[%add3A_29, %dma_wait3A_103] : memref<20480x128xf32, #tpu.memory_space<hbm>> -> memref<80x128xf32, #tpu.memory_space<hbm>>
      tpu.wait_dma2 semaphore(%run_scoped3A : memref<!tpu.dma_semaphore, #tpu.memory_space<semaphore_mem>>) src(%arg7 : memref<80x128xf32, #tpu.memory_space<vmem>>) dst(%dma_wait3A_104 : memref<80x128xf32, #tpu.memory_space<hbm>>)
      tpu.yield
    }) : () -> ()
    %dma_start3A_30 = arith.constant 240 : i32
    %dma_start3A_31 = tpu.memref_slice %arg5[%dma_start3A_30] : memref<640xi32, #tpu.memory_space<vmem>> -> memref<80xi32, #tpu.memory_space<vmem>>
    %dma_start3A_32 = arith.constant 0 : i32
    %dma_start3A_33 = arith.constant 0 : i32
    %dma_start3A_34 = tpu.memref_slice %arg2[%dma_start3A_32, %dma_start3A_33] : memref<20000x128xf32, #tpu.memory_space<hbm>> -> memref<20000x128xf32, #tpu.memory_space<hbm>>
    tpu.enqueue_indirect_dma source(%dma_start3A_34 : memref<20000x128xf32, #tpu.memory_space<hbm>>) target(%arg7 : memref<80x128xf32, #tpu.memory_space<vmem>>) offsets(%dma_start3A_31 : memref<80xi32, #tpu.memory_space<vmem>>) semaphore(%arg9 : memref<!tpu.dma_semaphore, #tpu.memory_space<semaphore_mem>>)
    %dma_wait3A_35 = arith.constant 160 : i32
    %dma_wait3A_36 = tpu.memref_slice %arg5[%dma_wait3A_35] : memref<640xi32, #tpu.memory_space<vmem>> -> memref<80xi32, #tpu.memory_space<vmem>>
    %dma_wait3A_37 = arith.constant 0 : i32
    %dma_wait3A_38 = arith.constant 0 : i32
    %dma_wait3A_39 = tpu.memref_slice %arg2[%dma_wait3A_37, %dma_wait3A_38] : memref<20000x128xf32, #tpu.memory_space<hbm>> -> memref<20000x128xf32, #tpu.memory_space<hbm>>
    tpu.wait_indirect_dma semaphore(%arg8 : memref<!tpu.dma_semaphore, #tpu.memory_space<semaphore_mem>>) src(%dma_wait3A_39 : memref<20000x128xf32, #tpu.memory_space<hbm>>) dst(%arg6 : memref<80x128xf32, #tpu.memory_space<vmem>>)
    %add3A_40 = arith.constant 160 : i32
    %add3A_41 = arith.addi %mul3A_2, %add3A_40 : i32
    "tpu.region"() ({
      %run_scoped3A = tpu.sem_alloc : memref<!tpu.dma_semaphore, #tpu.memory_space<semaphore_mem>>
      %dma_start3A_97 = arith.constant 0 : i32
      %dma_start3A_98 = tpu.memref_slice %arg4[%add3A_41, %dma_start3A_97] : memref<20480x128xf32, #tpu.memory_space<hbm>> -> memref<80x128xf32, #tpu.memory_space<hbm>>
      %dma_start3A_99 = arith.constant 0 : i32
      %dma_start3A_100 = tpu.memref_slice %arg4[%add3A_41, %dma_start3A_99] : memref<20480x128xf32, #tpu.memory_space<hbm>> -> memref<80x128xf32, #tpu.memory_space<hbm>>
      tpu.enqueue_dma source(%arg6 : memref<80x128xf32, #tpu.memory_space<vmem>>) target(%dma_start3A_100 : memref<80x128xf32, #tpu.memory_space<hbm>>) target_semaphore(%run_scoped3A : memref<!tpu.dma_semaphore, #tpu.memory_space<semaphore_mem>>)
      %dma_wait3A_101 = arith.constant 0 : i32
      %dma_wait3A_102 = tpu.memref_slice %arg4[%add3A_41, %dma_wait3A_101] : memref<20480x128xf32, #tpu.memory_space<hbm>> -> memref<80x128xf32, #tpu.memory_space<hbm>>
      %dma_wait3A_103 = arith.constant 0 : i32
      %dma_wait3A_104 = tpu.memref_slice %arg4[%add3A_41, %dma_wait3A_103] : memref<20480x128xf32, #tpu.memory_space<hbm>> -> memref<80x128xf32, #tpu.memory_space<hbm>>
      tpu.wait_dma2 semaphore(%run_scoped3A : memref<!tpu.dma_semaphore, #tpu.memory_space<semaphore_mem>>) src(%arg6 : memref<80x128xf32, #tpu.memory_space<vmem>>) dst(%dma_wait3A_104 : memref<80x128xf32, #tpu.memory_space<hbm>>)
      tpu.yield
    }) : () -> ()
    %dma_start3A_42 = arith.constant 320 : i32
    %dma_start3A_43 = tpu.memref_slice %arg5[%dma_start3A_42] : memref<640xi32, #tpu.memory_space<vmem>> -> memref<80xi32, #tpu.memory_space<vmem>>
    %dma_start3A_44 = arith.constant 0 : i32
    %dma_start3A_45 = arith.constant 0 : i32
    %dma_start3A_46 = tpu.memref_slice %arg2[%dma_start3A_44, %dma_start3A_45] : memref<20000x128xf32, #tpu.memory_space<hbm>> -> memref<20000x128xf32, #tpu.memory_space<hbm>>
    tpu.enqueue_indirect_dma source(%dma_start3A_46 : memref<20000x128xf32, #tpu.memory_space<hbm>>) target(%arg6 : memref<80x128xf32, #tpu.memory_space<vmem>>) offsets(%dma_start3A_43 : memref<80xi32, #tpu.memory_space<vmem>>) semaphore(%arg8 : memref<!tpu.dma_semaphore, #tpu.memory_space<semaphore_mem>>)
    %dma_wait3A_47 = arith.constant 240 : i32
    %dma_wait3A_48 = tpu.memref_slice %arg5[%dma_wait3A_47] : memref<640xi32, #tpu.memory_space<vmem>> -> memref<80xi32, #tpu.memory_space<vmem>>
    %dma_wait3A_49 = arith.constant 0 : i32
    %dma_wait3A_50 = arith.constant 0 : i32
    %dma_wait3A_51 = tpu.memref_slice %arg2[%dma_wait3A_49, %dma_wait3A_50] : memref<20000x128xf32, #tpu.memory_space<hbm>> -> memref<20000x128xf32, #tpu.memory_space<hbm>>
    tpu.wait_indirect_dma semaphore(%arg9 : memref<!tpu.dma_semaphore, #tpu.memory_space<semaphore_mem>>) src(%dma_wait3A_51 : memref<20000x128xf32, #tpu.memory_space<hbm>>) dst(%arg7 : memref<80x128xf32, #tpu.memory_space<vmem>>)
    %add3A_52 = arith.constant 240 : i32
    %add3A_53 = arith.addi %mul3A_2, %add3A_52 : i32
    "tpu.region"() ({
      %run_scoped3A = tpu.sem_alloc : memref<!tpu.dma_semaphore, #tpu.memory_space<semaphore_mem>>
      %dma_start3A_97 = arith.constant 0 : i32
      %dma_start3A_98 = tpu.memref_slice %arg4[%add3A_53, %dma_start3A_97] : memref<20480x128xf32, #tpu.memory_space<hbm>> -> memref<80x128xf32, #tpu.memory_space<hbm>>
      %dma_start3A_99 = arith.constant 0 : i32
      %dma_start3A_100 = tpu.memref_slice %arg4[%add3A_53, %dma_start3A_99] : memref<20480x128xf32, #tpu.memory_space<hbm>> -> memref<80x128xf32, #tpu.memory_space<hbm>>
      tpu.enqueue_dma source(%arg7 : memref<80x128xf32, #tpu.memory_space<vmem>>) target(%dma_start3A_100 : memref<80x128xf32, #tpu.memory_space<hbm>>) target_semaphore(%run_scoped3A : memref<!tpu.dma_semaphore, #tpu.memory_space<semaphore_mem>>)
      %dma_wait3A_101 = arith.constant 0 : i32
      %dma_wait3A_102 = tpu.memref_slice %arg4[%add3A_53, %dma_wait3A_101] : memref<20480x128xf32, #tpu.memory_space<hbm>> -> memref<80x128xf32, #tpu.memory_space<hbm>>
      %dma_wait3A_103 = arith.constant 0 : i32
      %dma_wait3A_104 = tpu.memref_slice %arg4[%add3A_53, %dma_wait3A_103] : memref<20480x128xf32, #tpu.memory_space<hbm>> -> memref<80x128xf32, #tpu.memory_space<hbm>>
      tpu.wait_dma2 semaphore(%run_scoped3A : memref<!tpu.dma_semaphore, #tpu.memory_space<semaphore_mem>>) src(%arg7 : memref<80x128xf32, #tpu.memory_space<vmem>>) dst(%dma_wait3A_104 : memref<80x128xf32, #tpu.memory_space<hbm>>)
      tpu.yield
    }) : () -> ()
    %dma_start3A_54 = arith.constant 400 : i32
    %dma_start3A_55 = tpu.memref_slice %arg5[%dma_start3A_54] : memref<640xi32, #tpu.memory_space<vmem>> -> memref<80xi32, #tpu.memory_space<vmem>>
    %dma_start3A_56 = arith.constant 0 : i32
    %dma_start3A_57 = arith.constant 0 : i32
    %dma_start3A_58 = tpu.memref_slice %arg2[%dma_start3A_56, %dma_start3A_57] : memref<20000x128xf32, #tpu.memory_space<hbm>> -> memref<20000x128xf32, #tpu.memory_space<hbm>>
    tpu.enqueue_indirect_dma source(%dma_start3A_58 : memref<20000x128xf32, #tpu.memory_space<hbm>>) target(%arg7 : memref<80x128xf32, #tpu.memory_space<vmem>>) offsets(%dma_start3A_55 : memref<80xi32, #tpu.memory_space<vmem>>) semaphore(%arg9 : memref<!tpu.dma_semaphore, #tpu.memory_space<semaphore_mem>>)
    %dma_wait3A_59 = arith.constant 320 : i32
    %dma_wait3A_60 = tpu.memref_slice %arg5[%dma_wait3A_59] : memref<640xi32, #tpu.memory_space<vmem>> -> memref<80xi32, #tpu.memory_space<vmem>>
    %dma_wait3A_61 = arith.constant 0 : i32
    %dma_wait3A_62 = arith.constant 0 : i32
    %dma_wait3A_63 = tpu.memref_slice %arg2[%dma_wait3A_61, %dma_wait3A_62] : memref<20000x128xf32, #tpu.memory_space<hbm>> -> memref<20000x128xf32, #tpu.memory_space<hbm>>
    tpu.wait_indirect_dma semaphore(%arg8 : memref<!tpu.dma_semaphore, #tpu.memory_space<semaphore_mem>>) src(%dma_wait3A_63 : memref<20000x128xf32, #tpu.memory_space<hbm>>) dst(%arg6 : memref<80x128xf32, #tpu.memory_space<vmem>>)
    %add3A_64 = arith.constant 320 : i32
    %add3A_65 = arith.addi %mul3A_2, %add3A_64 : i32
    "tpu.region"() ({
      %run_scoped3A = tpu.sem_alloc : memref<!tpu.dma_semaphore, #tpu.memory_space<semaphore_mem>>
      %dma_start3A_97 = arith.constant 0 : i32
      %dma_start3A_98 = tpu.memref_slice %arg4[%add3A_65, %dma_start3A_97] : memref<20480x128xf32, #tpu.memory_space<hbm>> -> memref<80x128xf32, #tpu.memory_space<hbm>>
      %dma_start3A_99 = arith.constant 0 : i32
      %dma_start3A_100 = tpu.memref_slice %arg4[%add3A_65, %dma_start3A_99] : memref<20480x128xf32, #tpu.memory_space<hbm>> -> memref<80x128xf32, #tpu.memory_space<hbm>>
      tpu.enqueue_dma source(%arg6 : memref<80x128xf32, #tpu.memory_space<vmem>>) target(%dma_start3A_100 : memref<80x128xf32, #tpu.memory_space<hbm>>) target_semaphore(%run_scoped3A : memref<!tpu.dma_semaphore, #tpu.memory_space<semaphore_mem>>)
      %dma_wait3A_101 = arith.constant 0 : i32
      %dma_wait3A_102 = tpu.memref_slice %arg4[%add3A_65, %dma_wait3A_101] : memref<20480x128xf32, #tpu.memory_space<hbm>> -> memref<80x128xf32, #tpu.memory_space<hbm>>
      %dma_wait3A_103 = arith.constant 0 : i32
      %dma_wait3A_104 = tpu.memref_slice %arg4[%add3A_65, %dma_wait3A_103] : memref<20480x128xf32, #tpu.memory_space<hbm>> -> memref<80x128xf32, #tpu.memory_space<hbm>>
      tpu.wait_dma2 semaphore(%run_scoped3A : memref<!tpu.dma_semaphore, #tpu.memory_space<semaphore_mem>>) src(%arg6 : memref<80x128xf32, #tpu.memory_space<vmem>>) dst(%dma_wait3A_104 : memref<80x128xf32, #tpu.memory_space<hbm>>)
      tpu.yield
    }) : () -> ()
    %dma_start3A_66 = arith.constant 480 : i32
    %dma_start3A_67 = tpu.memref_slice %arg5[%dma_start3A_66] : memref<640xi32, #tpu.memory_space<vmem>> -> memref<80xi32, #tpu.memory_space<vmem>>
    %dma_start3A_68 = arith.constant 0 : i32
    %dma_start3A_69 = arith.constant 0 : i32
    %dma_start3A_70 = tpu.memref_slice %arg2[%dma_start3A_68, %dma_start3A_69] : memref<20000x128xf32, #tpu.memory_space<hbm>> -> memref<20000x128xf32, #tpu.memory_space<hbm>>
    tpu.enqueue_indirect_dma source(%dma_start3A_70 : memref<20000x128xf32, #tpu.memory_space<hbm>>) target(%arg6 : memref<80x128xf32, #tpu.memory_space<vmem>>) offsets(%dma_start3A_67 : memref<80xi32, #tpu.memory_space<vmem>>) semaphore(%arg8 : memref<!tpu.dma_semaphore, #tpu.memory_space<semaphore_mem>>)
    %dma_wait3A_71 = arith.constant 400 : i32
    %dma_wait3A_72 = tpu.memref_slice %arg5[%dma_wait3A_71] : memref<640xi32, #tpu.memory_space<vmem>> -> memref<80xi32, #tpu.memory_space<vmem>>
    %dma_wait3A_73 = arith.constant 0 : i32
    %dma_wait3A_74 = arith.constant 0 : i32
    %dma_wait3A_75 = tpu.memref_slice %arg2[%dma_wait3A_73, %dma_wait3A_74] : memref<20000x128xf32, #tpu.memory_space<hbm>> -> memref<20000x128xf32, #tpu.memory_space<hbm>>
    tpu.wait_indirect_dma semaphore(%arg9 : memref<!tpu.dma_semaphore, #tpu.memory_space<semaphore_mem>>) src(%dma_wait3A_75 : memref<20000x128xf32, #tpu.memory_space<hbm>>) dst(%arg7 : memref<80x128xf32, #tpu.memory_space<vmem>>)
    %add3A_76 = arith.constant 400 : i32
    %add3A_77 = arith.addi %mul3A_2, %add3A_76 : i32
    "tpu.region"() ({
      %run_scoped3A = tpu.sem_alloc : memref<!tpu.dma_semaphore, #tpu.memory_space<semaphore_mem>>
      %dma_start3A_97 = arith.constant 0 : i32
      %dma_start3A_98 = tpu.memref_slice %arg4[%add3A_77, %dma_start3A_97] : memref<20480x128xf32, #tpu.memory_space<hbm>> -> memref<80x128xf32, #tpu.memory_space<hbm>>
      %dma_start3A_99 = arith.constant 0 : i32
      %dma_start3A_100 = tpu.memref_slice %arg4[%add3A_77, %dma_start3A_99] : memref<20480x128xf32, #tpu.memory_space<hbm>> -> memref<80x128xf32, #tpu.memory_space<hbm>>
      tpu.enqueue_dma source(%arg7 : memref<80x128xf32, #tpu.memory_space<vmem>>) target(%dma_start3A_100 : memref<80x128xf32, #tpu.memory_space<hbm>>) target_semaphore(%run_scoped3A : memref<!tpu.dma_semaphore, #tpu.memory_space<semaphore_mem>>)
      %dma_wait3A_101 = arith.constant 0 : i32
      %dma_wait3A_102 = tpu.memref_slice %arg4[%add3A_77, %dma_wait3A_101] : memref<20480x128xf32, #tpu.memory_space<hbm>> -> memref<80x128xf32, #tpu.memory_space<hbm>>
      %dma_wait3A_103 = arith.constant 0 : i32
      %dma_wait3A_104 = tpu.memref_slice %arg4[%add3A_77, %dma_wait3A_103] : memref<20480x128xf32, #tpu.memory_space<hbm>> -> memref<80x128xf32, #tpu.memory_space<hbm>>
      tpu.wait_dma2 semaphore(%run_scoped3A : memref<!tpu.dma_semaphore, #tpu.memory_space<semaphore_mem>>) src(%arg7 : memref<80x128xf32, #tpu.memory_space<vmem>>) dst(%dma_wait3A_104 : memref<80x128xf32, #tpu.memory_space<hbm>>)
      tpu.yield
    }) : () -> ()
    %dma_start3A_78 = arith.constant 560 : i32
    %dma_start3A_79 = tpu.memref_slice %arg5[%dma_start3A_78] : memref<640xi32, #tpu.memory_space<vmem>> -> memref<80xi32, #tpu.memory_space<vmem>>
    %dma_start3A_80 = arith.constant 0 : i32
    %dma_start3A_81 = arith.constant 0 : i32
    %dma_start3A_82 = tpu.memref_slice %arg2[%dma_start3A_80, %dma_start3A_81] : memref<20000x128xf32, #tpu.memory_space<hbm>> -> memref<20000x128xf32, #tpu.memory_space<hbm>>
    tpu.enqueue_indirect_dma source(%dma_start3A_82 : memref<20000x128xf32, #tpu.memory_space<hbm>>) target(%arg7 : memref<80x128xf32, #tpu.memory_space<vmem>>) offsets(%dma_start3A_79 : memref<80xi32, #tpu.memory_space<vmem>>) semaphore(%arg9 : memref<!tpu.dma_semaphore, #tpu.memory_space<semaphore_mem>>)
    %dma_wait3A_83 = arith.constant 480 : i32
    %dma_wait3A_84 = tpu.memref_slice %arg5[%dma_wait3A_83] : memref<640xi32, #tpu.memory_space<vmem>> -> memref<80xi32, #tpu.memory_space<vmem>>
    %dma_wait3A_85 = arith.constant 0 : i32
    %dma_wait3A_86 = arith.constant 0 : i32
    %dma_wait3A_87 = tpu.memref_slice %arg2[%dma_wait3A_85, %dma_wait3A_86] : memref<20000x128xf32, #tpu.memory_space<hbm>> -> memref<20000x128xf32, #tpu.memory_space<hbm>>
    tpu.wait_indirect_dma semaphore(%arg8 : memref<!tpu.dma_semaphore, #tpu.memory_space<semaphore_mem>>) src(%dma_wait3A_87 : memref<20000x128xf32, #tpu.memory_space<hbm>>) dst(%arg6 : memref<80x128xf32, #tpu.memory_space<vmem>>)
    %add3A_88 = arith.constant 480 : i32
    %add3A_89 = arith.addi %mul3A_2, %add3A_88 : i32
    "tpu.region"() ({
      %run_scoped3A = tpu.sem_alloc : memref<!tpu.dma_semaphore, #tpu.memory_space<semaphore_mem>>
      %dma_start3A_97 = arith.constant 0 : i32
      %dma_start3A_98 = tpu.memref_slice %arg4[%add3A_89, %dma_start3A_97] : memref<20480x128xf32, #tpu.memory_space<hbm>> -> memref<80x128xf32, #tpu.memory_space<hbm>>
      %dma_start3A_99 = arith.constant 0 : i32
      %dma_start3A_100 = tpu.memref_slice %arg4[%add3A_89, %dma_start3A_99] : memref<20480x128xf32, #tpu.memory_space<hbm>> -> memref<80x128xf32, #tpu.memory_space<hbm>>
      tpu.enqueue_dma source(%arg6 : memref<80x128xf32, #tpu.memory_space<vmem>>) target(%dma_start3A_100 : memref<80x128xf32, #tpu.memory_space<hbm>>) target_semaphore(%run_scoped3A : memref<!tpu.dma_semaphore, #tpu.memory_space<semaphore_mem>>)
      %dma_wait3A_101 = arith.constant 0 : i32
      %dma_wait3A_102 = tpu.memref_slice %arg4[%add3A_89, %dma_wait3A_101] : memref<20480x128xf32, #tpu.memory_space<hbm>> -> memref<80x128xf32, #tpu.memory_space<hbm>>
      %dma_wait3A_103 = arith.constant 0 : i32
      %dma_wait3A_104 = tpu.memref_slice %arg4[%add3A_89, %dma_wait3A_103] : memref<20480x128xf32, #tpu.memory_space<hbm>> -> memref<80x128xf32, #tpu.memory_space<hbm>>
      tpu.wait_dma2 semaphore(%run_scoped3A : memref<!tpu.dma_semaphore, #tpu.memory_space<semaphore_mem>>) src(%arg6 : memref<80x128xf32, #tpu.memory_space<vmem>>) dst(%dma_wait3A_104 : memref<80x128xf32, #tpu.memory_space<hbm>>)
      tpu.yield
    }) : () -> ()
    %dma_wait3A_90 = arith.constant 560 : i32
    %dma_wait3A_91 = tpu.memref_slice %arg5[%dma_wait3A_90] : memref<640xi32, #tpu.memory_space<vmem>> -> memref<80xi32, #tpu.memory_space<vmem>>
    %dma_wait3A_92 = arith.constant 0 : i32
    %dma_wait3A_93 = arith.constant 0 : i32
    %dma_wait3A_94 = tpu.memref_slice %arg2[%dma_wait3A_92, %dma_wait3A_93] : memref<20000x128xf32, #tpu.memory_space<hbm>> -> memref<20000x128xf32, #tpu.memory_space<hbm>>
    tpu.wait_indirect_dma semaphore(%arg9 : memref<!tpu.dma_semaphore, #tpu.memory_space<semaphore_mem>>) src(%dma_wait3A_94 : memref<20000x128xf32, #tpu.memory_space<hbm>>) dst(%arg7 : memref<80x128xf32, #tpu.memory_space<vmem>>)
    %add3A_95 = arith.constant 560 : i32
    %add3A_96 = arith.addi %mul3A_2, %add3A_95 : i32
    "tpu.region"() ({
      %run_scoped3A = tpu.sem_alloc : memref<!tpu.dma_semaphore, #tpu.memory_space<semaphore_mem>>
      %dma_start3A_97 = arith.constant 0 : i32
      %dma_start3A_98 = tpu.memref_slice %arg4[%add3A_96, %dma_start3A_97] : memref<20480x128xf32, #tpu.memory_space<hbm>> -> memref<80x128xf32, #tpu.memory_space<hbm>>
      %dma_start3A_99 = arith.constant 0 : i32
      %dma_start3A_100 = tpu.memref_slice %arg4[%add3A_96, %dma_start3A_99] : memref<20480x128xf32, #tpu.memory_space<hbm>> -> memref<80x128xf32, #tpu.memory_space<hbm>>
      tpu.enqueue_dma source(%arg7 : memref<80x128xf32, #tpu.memory_space<vmem>>) target(%dma_start3A_100 : memref<80x128xf32, #tpu.memory_space<hbm>>) target_semaphore(%run_scoped3A : memref<!tpu.dma_semaphore, #tpu.memory_space<semaphore_mem>>)
      %dma_wait3A_101 = arith.constant 0 : i32
      %dma_wait3A_102 = tpu.memref_slice %arg4[%add3A_96, %dma_wait3A_101] : memref<20480x128xf32, #tpu.memory_space<hbm>> -> memref<80x128xf32, #tpu.memory_space<hbm>>
      %dma_wait3A_103 = arith.constant 0 : i32
      %dma_wait3A_104 = tpu.memref_slice %arg4[%add3A_96, %dma_wait3A_103] : memref<20480x128xf32, #tpu.memory_space<hbm>> -> memref<80x128xf32, #tpu.memory_space<hbm>>
      tpu.wait_dma2 semaphore(%run_scoped3A : memref<!tpu.dma_semaphore, #tpu.memory_space<semaphore_mem>>) src(%arg7 : memref<80x128xf32, #tpu.memory_space<vmem>>) dst(%dma_wait3A_104 : memref<80x128xf32, #tpu.memory_space<hbm>>)
      tpu.yield
    }) : () -> ()
    return
  }
}

module attributes {stable_mosaic.version = 14 : i64} {
  func.func @_hop_body(%arg0: i32, %arg1: i32, %arg2: memref<1x2000x128xf32, #tpu.memory_space<vmem>>, %arg3: memref<1x2000x16xf32, #tpu.memory_space<vmem>>, %arg4: memref<1x128x128xf32, #tpu.memory_space<vmem>>, %arg5: memref<1x2000x128xf32, #tpu.memory_space<vmem>>) attributes {dimension_semantics = [#tpu.dimension_semantics<arbitrary>, #tpu.dimension_semantics<arbitrary>], iteration_bounds = array<i64: 2, 5>, scalar_prefetch = 0 : i64, scratch_operands = 0 : i64, tpu.core_type = #tpu.core_type<tc>, window_params = [{transform_indices = @transform_0, window_bounds = array<i64: 1, 2000, 128>}, {transform_indices = @transform_1, window_bounds = array<i64: 1, 2000, 16>}, {transform_indices = @transform_2, window_bounds = array<i64: 1, 128, 128>}, {transform_indices = @transform_3, window_bounds = array<i64: 1, 2000, 128>}]} {
    %get3A = arith.constant 0 : index
    %get3A_0 = arith.constant 0 : index
    %get3A_1 = arith.constant 0 : index
    %get3A_2 = vector.load %arg2[%get3A, %get3A_0, %get3A_1] : memref<1x2000x128xf32, #tpu.memory_space<vmem>>, vector<1x2000x128xf32>
    %get3A_3 = vector.shape_cast %get3A_2 : vector<1x2000x128xf32> to vector<2000x128xf32>
    %get3A_4 = arith.constant 0 : index
    %get3A_5 = arith.constant 0 : index
    %get3A_6 = arith.constant 0 : index
    %get3A_7 = vector.load %arg3[%get3A_4, %get3A_5, %get3A_6] : memref<1x2000x16xf32, #tpu.memory_space<vmem>>, vector<1x2000x16xf32>
    %get3A_8 = vector.shape_cast %get3A_7 : vector<1x2000x16xf32> to vector<2000x16xf32>
    %reduce_sum3A = arith.constant dense<0.000000e+00> : vector<2000xf32>
    %reduce_sum3A_9 = vector.multi_reduction <add>, %get3A_8, %reduce_sum3A [1] : vector<2000x16xf32> to vector<2000xf32>
    %get3A_10 = arith.constant 0 : index
    %get3A_11 = arith.constant 0 : index
    %get3A_12 = arith.constant 0 : index
    %get3A_13 = vector.load %arg4[%get3A_10, %get3A_11, %get3A_12] : memref<1x128x128xf32, #tpu.memory_space<vmem>>, vector<1x128x128xf32>
    %get3A_14 = vector.shape_cast %get3A_13 : vector<1x128x128xf32> to vector<128x128xf32>
    %dot_general3A = arith.constant dense<0.000000e+00> : vector<2000x128xf32>
    %dot_general3A_15 = tpu.matmul %get3A_3, %get3A_14, %dot_general3A {dimension_numbers = #tpu.dot_dimension_numbers<[1], [0], [0], [1], [0, 0, 1, 1], [], []>, transpose_lhs_hint = false} : vector<2000x128xf32>, vector<128x128xf32>, vector<2000x128xf32> -> vector<2000x128xf32>
    %max3A = arith.constant 1.000000e+00 : f32
    %max3A_16 = vector.broadcast %max3A : f32 to vector<2000xf32>
    %max3A_17 = arith.maximumf %reduce_sum3A_9, %max3A_16 : vector<2000xf32>
    %broadcast_in_dim3A = vector.shape_cast %max3A_17 : vector<2000xf32> to vector<2000x1xf32>
    %div3A = vector.broadcast %broadcast_in_dim3A : vector<2000x1xf32> to vector<2000x128xf32>
    %div3A_18 = arith.divf %dot_general3A_15, %div3A : vector<2000x128xf32>
    %max3A_19 = arith.constant 0.000000e+00 : f32
    %max3A_20 = vector.broadcast %max3A_19 : f32 to vector<2000x128xf32>
    %max3A_21 = arith.maximumf %div3A_18, %max3A_20 : vector<2000x128xf32>
    %swap3A = arith.constant 0 : index
    %swap3A_22 = arith.constant 0 : index
    %swap3A_23 = arith.constant 0 : index
    %swap3A_24 = vector.load %arg5[%swap3A, %swap3A_22, %swap3A_23] : memref<1x2000x128xf32, #tpu.memory_space<vmem>>, vector<1x2000x128xf32>
    %swap3A_25 = vector.shape_cast %swap3A_24 : vector<1x2000x128xf32> to vector<2000x128xf32>
    %swap3A_26 = vector.shape_cast %max3A_21 : vector<2000x128xf32> to vector<1x2000x128xf32>
    tpu.vector_store %arg5[%swap3A, %swap3A_22, %swap3A_23], %swap3A_26 {strides = array<i32>} : memref<1x2000x128xf32, #tpu.memory_space<vmem>>, vector<1x2000x128xf32>,
    return
  }
  func.func @transform_0(%arg0: i32, %arg1: i32) -> (i32, i32, i32) {
    %c0_i32 = arith.constant 0 : i32
    %c0_i32_0 = arith.constant 0 : i32
    return %arg0, %arg1, %c0_i32 : i32, i32, i32
  }
  func.func @transform_1(%arg0: i32, %arg1: i32) -> (i32, i32, i32) {
    %c0_i32 = arith.constant 0 : i32
    %c0_i32_0 = arith.constant 0 : i32
    return %arg0, %arg1, %c0_i32 : i32, i32, i32
  }
  func.func @transform_2(%arg0: i32, %arg1: i32) -> (i32, i32, i32) {
    %c0_i32 = arith.constant 0 : i32
    %c0_i32_0 = arith.constant 0 : i32
    %c0_i32_1 = arith.constant 0 : i32
    return %arg0, %c0_i32, %c0_i32_0 : i32, i32, i32
  }
  func.func @transform_3(%arg0: i32, %arg1: i32) -> (i32, i32, i32) {
    %c0_i32 = arith.constant 0 : i32
    %c0_i32_0 = arith.constant 0 : i32
    return %arg0, %arg1, %c0_i32 : i32, i32, i32
  }
}

module attributes {stable_mosaic.version = 14 : i64} {
  func.func @_fusion_body(%arg0: i32, %arg1: memref<2x2000x128xf32, #tpu.memory_space<vmem>>, %arg2: memref<128x128xf32, #tpu.memory_space<vmem>>, %arg3: memref<128x128xf32, #tpu.memory_space<vmem>>, %arg4: memref<1x128xf32, #tpu.memory_space<vmem>>, %arg5: memref<2000x128xf32, #tpu.memory_space<vmem>>, %arg6: memref<1x1xf32, #tpu.memory_space<smem>>, %arg7: memref<4xf32, #tpu.memory_space<smem>>) attributes {dimension_semantics = [#tpu.dimension_semantics<arbitrary>], iteration_bounds = array<i64: 10>, scalar_prefetch = 0 : i64, scratch_operands = 1 : i64, tpu.core_type = #tpu.core_type<tc>, window_params = [{transform_indices = @transform_0, window_bounds = array<i64: 2, 2000, 128>}, {pipeline_mode = #tpu.pipeline_mode<synchronous>, transform_indices = @transform_1, window_bounds = array<i64: 128, 128>}, {pipeline_mode = #tpu.pipeline_mode<synchronous>, transform_indices = @transform_2, window_bounds = array<i64: 128, 128>}, {pipeline_mode = #tpu.pipeline_mode<synchronous>, transform_indices = @transform_3, window_bounds = array<i64: 1, 128>}, {transform_indices = @transform_4, window_bounds = array<i64: 2000, 128>}, {transform_indices = @transform_5, window_bounds = array<i64: 1, 1>}]} {
    %eq3A = arith.constant 0 : i32
    %eq3A_0 = arith.cmpi eq, %arg0, %eq3A : i32
    %convert_element_type3A = arith.extui %eq3A_0 : i1 to i32
    %cond3A = arith.constant 0 : i32
    %cond3A_1 = arith.cmpi ne, %convert_element_type3A, %cond3A : i32
    scf.if %cond3A_1 {
      %swap3A = arith.constant 0.000000e+00 : f32
      %swap3A_30 = arith.constant 0 : index
      %swap3A_31 = memref.load %arg7[%swap3A_30] : memref<4xf32, #tpu.memory_space<smem>>
      memref.store %swap3A, %arg7[%swap3A_30] : memref<4xf32, #tpu.memory_space<smem>>
      %swap3A_32 = arith.constant 0.000000e+00 : f32
      %swap3A_33 = arith.constant 1 : index
      %swap3A_34 = memref.load %arg7[%swap3A_33] : memref<4xf32, #tpu.memory_space<smem>>
      memref.store %swap3A_32, %arg7[%swap3A_33] : memref<4xf32, #tpu.memory_space<smem>>
      %swap3A_35 = arith.constant 0.000000e+00 : f32
      %swap3A_36 = arith.constant 2 : index
      %swap3A_37 = memref.load %arg7[%swap3A_36] : memref<4xf32, #tpu.memory_space<smem>>
      memref.store %swap3A_35, %arg7[%swap3A_36] : memref<4xf32, #tpu.memory_space<smem>>
      %swap3A_38 = arith.constant 0.000000e+00 : f32
      %swap3A_39 = arith.constant 3 : index
      %swap3A_40 = memref.load %arg7[%swap3A_39] : memref<4xf32, #tpu.memory_space<smem>>
      memref.store %swap3A_38, %arg7[%swap3A_39] : memref<4xf32, #tpu.memory_space<smem>>
    } else {
    }
    %get3A = arith.constant 0 : index
    %get3A_2 = arith.constant 0 : index
    %get3A_3 = arith.constant 0 : index
    %get3A_4 = vector.load %arg1[%get3A, %get3A_2, %get3A_3] : memref<2x2000x128xf32, #tpu.memory_space<vmem>>, vector<1x2000x128xf32>
    %get3A_5 = vector.shape_cast %get3A_4 : vector<1x2000x128xf32> to vector<2000x128xf32>
    %get3A_6 = arith.constant 1 : index
    %get3A_7 = arith.constant 0 : index
    %get3A_8 = arith.constant 0 : index
    %get3A_9 = vector.load %arg1[%get3A_6, %get3A_7, %get3A_8] : memref<2x2000x128xf32, #tpu.memory_space<vmem>>, vector<1x2000x128xf32>
    %get3A_10 = vector.shape_cast %get3A_9 : vector<1x2000x128xf32> to vector<2000x128xf32>
    %get3A_11 = arith.constant 0 : index
    %get3A_12 = arith.constant 0 : index
    %get3A_13 = vector.load %arg2[%get3A_11, %get3A_12] : memref<128x128xf32, #tpu.memory_space<vmem>>, vector<128x128xf32>
    %dot_general3A = arith.constant dense<0.000000e+00> : vector<2000x128xf32>
    %dot_general3A_14 = tpu.matmul %get3A_5, %get3A_13, %dot_general3A {dimension_numbers = #tpu.dot_dimension_numbers<[1], [0], [0], [1], [0, 0, 1, 1], [], []>, transpose_lhs_hint = false} : vector<2000x128xf32>, vector<128x128xf32>, vector<2000x128xf32> -> vector<2000x128xf32>
    %tanh3A = math.tanh %dot_general3A_14 : vector<2000x128xf32>
    %dot_general3A_15 = arith.constant dense<0.000000e+00> : vector<2000x128xf32>
    %dot_general3A_16 = tpu.matmul %get3A_10, %get3A_13, %dot_general3A_15 {dimension_numbers = #tpu.dot_dimension_numbers<[1], [0], [0], [1], [0, 0, 1, 1], [], []>, transpose_lhs_hint = false} : vector<2000x128xf32>, vector<128x128xf32>, vector<2000x128xf32> -> vector<2000x128xf32>
    %tanh3A_17 = math.tanh %dot_general3A_16 : vector<2000x128xf32>
    %get3A_18 = arith.constant 0 : index
    %get3A_19 = arith.constant 0 : index
    %get3A_20 = vector.load %arg4[%get3A_18, %get3A_19] : memref<1x128xf32, #tpu.memory_space<vmem>>, vector<1x128xf32>
    %get3A_21 = vector.shape_cast %get3A_20 : vector<1x128xf32> to vector<128xf32>
    %lt3A = arith.constant 5 : i32
    %lt3A_22 = arith.cmpi slt, %arg0, %lt3A : i32
    %convert_element_type3A_23 = arith.extui %lt3A_22 : i1 to i32
    %cond3A_24 = arith.constant 0 : i32
    %cond3A_25 = arith.cmpi ne, %convert_element_type3A_23, %cond3A_24 : i32
    scf.if %cond3A_25 {
      %get3A_30 = arith.constant 0 : index
      %get3A_31 = memref.load %arg7[%get3A_30] : memref<4xf32, #tpu.memory_space<smem>>
      %broadcast_in_dim3A = vector.shape_cast %get3A_21 : vector<128xf32> to vector<1x128xf32>
      %mul3A = vector.broadcast %broadcast_in_dim3A : vector<1x128xf32> to vector<2000x128xf32>
      %mul3A_32 = arith.mulf %tanh3A, %mul3A : vector<2000x128xf32>
      %reduce_sum3A = vector.shape_cast %mul3A_32 : vector<2000x128xf32> to vector<1x2000x128xf32>
      %reduce_sum3A_33 = arith.constant dense<0.000000e+00> : vector<1xf32>
      %reduce_sum3A_34 = vector.multi_reduction <add>, %reduce_sum3A, %reduce_sum3A_33 [1, 2] : vector<1x2000x128xf32> to vector<1xf32>
      %reduce_sum3A_35 = vector.shape_cast %reduce_sum3A_34 : vector<1xf32> to vector<1x1x1xf32>
      %reduce_sum3A_36 = vector.extract %reduce_sum3A_35[0, 0, 0] : f32 from vector<1x1x1xf32>
      %add3A = arith.addf %get3A_31, %reduce_sum3A_36 : f32
      %swap3A = arith.constant 0 : index
      %swap3A_37 = memref.load %arg7[%swap3A] : memref<4xf32, #tpu.memory_space<smem>>
      memref.store %add3A, %arg7[%swap3A] : memref<4xf32, #tpu.memory_space<smem>>
      %get3A_38 = arith.constant 1 : index
      %get3A_39 = memref.load %arg7[%get3A_38] : memref<4xf32, #tpu.memory_space<smem>>
      %broadcast_in_dim3A_40 = vector.shape_cast %get3A_21 : vector<128xf32> to vector<1x128xf32>
      %mul3A_41 = vector.broadcast %broadcast_in_dim3A_40 : vector<1x128xf32> to vector<2000x128xf32>
      %mul3A_42 = arith.mulf %tanh3A_17, %mul3A_41 : vector<2000x128xf32>
      %reduce_sum3A_43 = vector.shape_cast %mul3A_42 : vector<2000x128xf32> to vector<1x2000x128xf32>
      %reduce_sum3A_44 = arith.constant dense<0.000000e+00> : vector<1xf32>
      %reduce_sum3A_45 = vector.multi_reduction <add>, %reduce_sum3A_43, %reduce_sum3A_44 [1, 2] : vector<1x2000x128xf32> to vector<1xf32>
      %reduce_sum3A_46 = vector.shape_cast %reduce_sum3A_45 : vector<1xf32> to vector<1x1x1xf32>
      %reduce_sum3A_47 = vector.extract %reduce_sum3A_46[0, 0, 0] : f32 from vector<1x1x1xf32>
      %add3A_48 = arith.addf %get3A_39, %reduce_sum3A_47 : f32
      %swap3A_49 = arith.constant 1 : index
      %swap3A_50 = memref.load %arg7[%swap3A_49] : memref<4xf32, #tpu.memory_space<smem>>
      memref.store %add3A_48, %arg7[%swap3A_49] : memref<4xf32, #tpu.memory_space<smem>>
      %swap3A_51 = arith.constant 0 : index
      %swap3A_52 = arith.constant 0 : index
      %swap3A_53 = vector.load %arg5[%swap3A_51, %swap3A_52] : memref<2000x128xf32, #tpu.memory_space<vmem>>, vector<2000x128xf32>
      tpu.vector_store %arg5[%swap3A_51, %swap3A_52], %get3A_5 {strides = array<i32>} : memref<2000x128xf32, #tpu.memory_space<vmem>>, vector<2000x128xf32>,
      %swap3A_54 = arith.constant 0.000000e+00 : f32
      %swap3A_55 = arith.constant 0 : index
      %swap3A_56 = arith.constant 0 : index
      %swap3A_57 = memref.load %arg6[%swap3A_55, %swap3A_56] : memref<1x1xf32, #tpu.memory_space<smem>>
      memref.store %swap3A_54, %arg6[%swap3A_55, %swap3A_56] : memref<1x1xf32, #tpu.memory_space<smem>>
    } else {
    }
    %ge3A = arith.constant 5 : i32
    %ge3A_26 = arith.cmpi sge, %arg0, %ge3A : i32
    %convert_element_type3A_27 = arith.extui %ge3A_26 : i1 to i32
    %cond3A_28 = arith.constant 0 : i32
    %cond3A_29 = arith.cmpi ne, %convert_element_type3A_27, %cond3A_28 : i32
    scf.if %cond3A_29 {
      %get3A_30 = arith.constant 0 : index
      %get3A_31 = memref.load %arg7[%get3A_30] : memref<4xf32, #tpu.memory_space<smem>>
      %div3A = arith.constant 1.000000e+04 : f32
      %div3A_32 = arith.divf %get3A_31, %div3A : f32
      %get3A_33 = arith.constant 1 : index
      %get3A_34 = memref.load %arg7[%get3A_33] : memref<4xf32, #tpu.memory_space<smem>>
      %div3A_35 = arith.constant 1.000000e+04 : f32
      %div3A_36 = arith.divf %get3A_34, %div3A_35 : f32
      %max3A = arith.maximumf %div3A_32, %div3A_36 : f32
      %sub3A = arith.subf %div3A_32, %max3A : f32
      %exp3A = math.exp %sub3A : f32
      %sub3A_37 = arith.subf %div3A_36, %max3A : f32
      %exp3A_38 = math.exp %sub3A_37 : f32
      %add3A = arith.addf %exp3A, %exp3A_38 : f32
      %div3A_39 = arith.divf %exp3A, %add3A : f32
      %add3A_40 = arith.addf %exp3A, %exp3A_38 : f32
      %div3A_41 = arith.divf %exp3A_38, %add3A_40 : f32
      %mul3A = vector.broadcast %div3A_39 : f32 to vector<2000x128xf32>
      %mul3A_42 = arith.mulf %mul3A, %get3A_5 : vector<2000x128xf32>
      %mul3A_43 = vector.broadcast %div3A_41 : f32 to vector<2000x128xf32>
      %mul3A_44 = arith.mulf %mul3A_43, %get3A_10 : vector<2000x128xf32>
      %add3A_45 = arith.addf %mul3A_42, %mul3A_44 : vector<2000x128xf32>
      %get3A_46 = arith.constant 0 : index
      %get3A_47 = arith.constant 0 : index
      %get3A_48 = vector.load %arg3[%get3A_46, %get3A_47] : memref<128x128xf32, #tpu.memory_space<vmem>>, vector<128x128xf32>
      %dot_general3A_49 = arith.constant dense<0.000000e+00> : vector<2000x128xf32>
      %dot_general3A_50 = tpu.matmul %add3A_45, %get3A_48, %dot_general3A_49 {dimension_numbers = #tpu.dot_dimension_numbers<[1], [0], [0], [1], [0, 0, 1, 1], [], []>, transpose_lhs_hint = false} : vector<2000x128xf32>, vector<128x128xf32>, vector<2000x128xf32> -> vector<2000x128xf32>
      %swap3A = arith.constant 0 : index
      %swap3A_51 = arith.constant 0 : index
      %swap3A_52 = vector.load %arg5[%swap3A, %swap3A_51] : memref<2000x128xf32, #tpu.memory_space<vmem>>, vector<2000x128xf32>
      tpu.vector_store %arg5[%swap3A, %swap3A_51], %dot_general3A_50 {strides = array<i32>} : memref<2000x128xf32, #tpu.memory_space<vmem>>, vector<2000x128xf32>,
      %sub3A_53 = arith.subf %dot_general3A_50, %tanh3A : vector<2000x128xf32>
      %integer_pow3A = arith.mulf %sub3A_53, %sub3A_53 : vector<2000x128xf32>
      %reduce_sum3A = vector.shape_cast %integer_pow3A : vector<2000x128xf32> to vector<1x2000x128xf32>
      %reduce_sum3A_54 = arith.constant dense<0.000000e+00> : vector<1xf32>
      %reduce_sum3A_55 = vector.multi_reduction <add>, %reduce_sum3A, %reduce_sum3A_54 [1, 2] : vector<1x2000x128xf32> to vector<1xf32>
      %reduce_sum3A_56 = vector.shape_cast %reduce_sum3A_55 : vector<1xf32> to vector<1x1x1xf32>
      %reduce_sum3A_57 = vector.extract %reduce_sum3A_56[0, 0, 0] : f32 from vector<1x1x1xf32>
      %sub3A_58 = arith.subf %dot_general3A_50, %tanh3A_17 : vector<2000x128xf32>
      %integer_pow3A_59 = arith.mulf %sub3A_58, %sub3A_58 : vector<2000x128xf32>
      %reduce_sum3A_60 = vector.shape_cast %integer_pow3A_59 : vector<2000x128xf32> to vector<1x2000x128xf32>
      %reduce_sum3A_61 = arith.constant dense<0.000000e+00> : vector<1xf32>
      %reduce_sum3A_62 = vector.multi_reduction <add>, %reduce_sum3A_60, %reduce_sum3A_61 [1, 2] : vector<1x2000x128xf32> to vector<1xf32>
      %reduce_sum3A_63 = vector.shape_cast %reduce_sum3A_62 : vector<1xf32> to vector<1x1x1xf32>
      %reduce_sum3A_64 = vector.extract %reduce_sum3A_63[0, 0, 0] : f32 from vector<1x1x1xf32>
      %add3A_65 = arith.addf %reduce_sum3A_57, %reduce_sum3A_64 : f32
      %mul3A_66 = arith.mulf %get3A_5, %get3A_5 : vector<2000x128xf32>
      %reduce_sum3A_67 = arith.constant dense<0.000000e+00> : vector<2000xf32>
      %reduce_sum3A_68 = vector.multi_reduction <add>, %mul3A_66, %reduce_sum3A_67 [1] : vector<2000x128xf32> to vector<2000xf32>
      %mul3A_69 = arith.mulf %get3A_10, %get3A_10 : vector<2000x128xf32>
      %reduce_sum3A_70 = arith.constant dense<0.000000e+00> : vector<2000xf32>
      %reduce_sum3A_71 = vector.multi_reduction <add>, %mul3A_69, %reduce_sum3A_70 [1] : vector<2000x128xf32> to vector<2000xf32>
      %sqrt3A = math.sqrt %reduce_sum3A_68 : vector<2000xf32>
      %add3A_72 = arith.constant 9.99999993E-9 : f32
      %add3A_73 = vector.broadcast %add3A_72 : f32 to vector<2000xf32>
      %add3A_74 = arith.addf %sqrt3A, %add3A_73 : vector<2000xf32>
      %div3A_75 = arith.constant 1.000000e+00 : f32
      %div3A_76 = vector.broadcast %div3A_75 : f32 to vector<2000xf32>
      %div3A_77 = arith.divf %div3A_76, %add3A_74 : vector<2000xf32>
      %sqrt3A_78 = math.sqrt %reduce_sum3A_71 : vector<2000xf32>
      %add3A_79 = arith.constant 9.99999993E-9 : f32
      %add3A_80 = vector.broadcast %add3A_79 : f32 to vector<2000xf32>
      %add3A_81 = arith.addf %sqrt3A_78, %add3A_80 : vector<2000xf32>
      %div3A_82 = arith.constant 1.000000e+00 : f32
      %div3A_83 = vector.broadcast %div3A_82 : f32 to vector<2000xf32>
      %div3A_84 = arith.divf %div3A_83, %add3A_81 : vector<2000xf32>
      %mul3A_85 = arith.mulf %get3A_5, %get3A_10 : vector<2000x128xf32>
      %reduce_sum3A_86 = arith.constant dense<0.000000e+00> : vector<2000xf32>
      %reduce_sum3A_87 = vector.multi_reduction <add>, %mul3A_85, %reduce_sum3A_86 [1] : vector<2000x128xf32> to vector<2000xf32>
      %abs3A = math.absf %reduce_sum3A_87 : vector<2000xf32>
      %mul3A_88 = arith.mulf %abs3A, %div3A_77 : vector<2000xf32>
      %mul3A_89 = arith.mulf %mul3A_88, %div3A_84 : vector<2000xf32>
      %reduce_sum3A_90 = vector.shape_cast %mul3A_89 : vector<2000xf32> to vector<1x2000xf32>
      %reduce_sum3A_91 = arith.constant dense<0.000000e+00> : vector<1xf32>
      %reduce_sum3A_92 = vector.multi_reduction <add>, %reduce_sum3A_90, %reduce_sum3A_91 [1] : vector<1x2000xf32> to vector<1xf32>
      %reduce_sum3A_93 = vector.shape_cast %reduce_sum3A_92 : vector<1xf32> to vector<1x1xf32>
      %reduce_sum3A_94 = vector.extract %reduce_sum3A_93[0, 0] : f32 from vector<1x1xf32>
      %get3A_95 = arith.constant 2 : index
      %get3A_96 = memref.load %arg7[%get3A_95] : memref<4xf32, #tpu.memory_space<smem>>
      %add3A_97 = arith.addf %get3A_96, %add3A_65 : f32
      %swap3A_98 = arith.constant 2 : index
      %swap3A_99 = memref.load %arg7[%swap3A_98] : memref<4xf32, #tpu.memory_space<smem>>
      memref.store %add3A_97, %arg7[%swap3A_98] : memref<4xf32, #tpu.memory_space<smem>>
      %get3A_100 = arith.constant 3 : index
      %get3A_101 = memref.load %arg7[%get3A_100] : memref<4xf32, #tpu.memory_space<smem>>
      %add3A_102 = arith.addf %get3A_101, %reduce_sum3A_94 : f32
      %swap3A_103 = arith.constant 3 : index
      %swap3A_104 = memref.load %arg7[%swap3A_103] : memref<4xf32, #tpu.memory_space<smem>>
      memref.store %add3A_102, %arg7[%swap3A_103] : memref<4xf32, #tpu.memory_space<smem>>
      %get3A_105 = arith.constant 2 : index
      %get3A_106 = memref.load %arg7[%get3A_105] : memref<4xf32, #tpu.memory_space<smem>>
      %div3A_107 = arith.constant 2.560000e+06 : f32
      %div3A_108 = arith.divf %get3A_106, %div3A_107 : f32
      %get3A_109 = arith.constant 3 : index
      %get3A_110 = memref.load %arg7[%get3A_109] : memref<4xf32, #tpu.memory_space<smem>>
      %div3A_111 = arith.constant 1.000000e+04 : f32
      %div3A_112 = arith.divf %get3A_110, %div3A_111 : f32
      %add3A_113 = arith.addf %div3A_108, %div3A_112 : f32
      %swap3A_114 = arith.constant 0 : index
      %swap3A_115 = arith.constant 0 : index
      %swap3A_116 = memref.load %arg6[%swap3A_114, %swap3A_115] : memref<1x1xf32, #tpu.memory_space<smem>>
      memref.store %add3A_113, %arg6[%swap3A_114, %swap3A_115] : memref<1x1xf32, #tpu.memory_space<smem>>
    } else {
    }
    return
  }
  func.func @transform_0(%arg0: i32) -> (i32, i32, i32) {
    %rem3A = arith.constant 5 : i32
    %rem3A_0 = arith.remsi %arg0, %rem3A : i32
    %c0_i32 = arith.constant 0 : i32
    %c0_i32_1 = arith.constant 0 : i32
    %c0_i32_2 = arith.constant 0 : i32
    return %c0_i32, %rem3A_0, %c0_i32_1 : i32, i32, i32
  }
  func.func @transform_1(%arg0: i32) -> (i32, i32) {
    %c0_i32 = arith.constant 0 : i32
    %c0_i32_0 = arith.constant 0 : i32
    %c0_i32_1 = arith.constant 0 : i32
    return %c0_i32, %c0_i32_0 : i32, i32
  }
  func.func @transform_2(%arg0: i32) -> (i32, i32) {
    %c0_i32 = arith.constant 0 : i32
    %c0_i32_0 = arith.constant 0 : i32
    %c0_i32_1 = arith.constant 0 : i32
    return %c0_i32, %c0_i32_0 : i32, i32
  }
  func.func @transform_3(%arg0: i32) -> (i32, i32) {
    %c0_i32 = arith.constant 0 : i32
    %c0_i32_0 = arith.constant 0 : i32
    %c0_i32_1 = arith.constant 0 : i32
    return %c0_i32, %c0_i32_0 : i32, i32
  }
  func.func @transform_4(%arg0: i32) -> (i32, i32) {
    %rem3A = arith.constant 5 : i32
    %rem3A_0 = arith.remsi %arg0, %rem3A : i32
    %c0_i32 = arith.constant 0 : i32
    %c0_i32_1 = arith.constant 0 : i32
    return %rem3A_0, %c0_i32 : i32, i32
  }
  func.func @transform_5(%arg0: i32) -> (i32, i32) {
    %c0_i32 = arith.constant 0 : i32
    %c0_i32_0 = arith.constant 0 : i32
    %c0_i32_1 = arith.constant 0 : i32
    return %c0_i32, %c0_i32_0 : i32, i32
  }
}

</mosaic_0001>

<sc_bundles>
// kernel: kernel.11.cloned.1.call-start
scs
__scs_entry_jumppad:
0x0: {  	(pc) =	sbr.rel $0x88, $3  }
0x1: {  	(tag) =	ssettag $0x0;
	lr =	simm.s32 $0x1  }
0x2: {  	[smem:$0x3F95] =	sst lr;
	_ =	strace $0xD0000000  }
0x3: {  	_ = 	snop  }
0x4: {  	_ = 	snop  }
0x5: {  	_ = 	snop  }
0x6: {  	_ = 	snop  }
0x7: {  	_ = 	snop  }
__scs_overlays_trampoline_lowered:
0x8: {  	[smem:$0x3FA4] =	sst s0  }
0x9: {  	[smem:$0x3FA5] =	sst s1  }
0xa: {  	[smem:$0x3FA6] =	sst s2  }
0xb: {  	[smem:$0x3FA7] =	sst s3  }
0xc: {  	[smem:$0x3FA8] =	sst s4  }
0xd: {  	[smem:$0x3FA9] =	sst s5  }
0xe: {  	[smem:$0x3FAA] =	sst s6  }
0xf: {  	[smem:$0x3FAB] =	sst s7  }
0x10: {  	[smem:$0x3FAC] =	sst s8  }
0x11: {  	[smem:$0x3FAD] =	sst s9;
	s0 =	simm.s32 @!p0 $0x0  }
0x12: {  	s1 =	sld [smem:$0x3F93];
	s0 =	simm.s32 @p0 $0x1  }
0x13: {  	[smem:$0x3FAE] =	sst s0;
	s0 =	simm.s32 @!p1 $0x0  }
0x14: {  	s2 =	sld [smem:$0x3F92];
	s0 =	simm.s32 @p1 $0x1  }
0x15: {  	[smem:$0x3FAF] =	sst s0;
	s0 =	simm.s32 @!p2 $0x0  }
0x16: {  	s3 =	sld [smem:$0x3FDB];
	s0 =	simm.s32 @p2 $0x1  }
0x17: {  	s4 =	simm.s32 $0x1BF5;
	[smem:$0x3FB1] =	sst s0  }
0x18: {  	s0 =	sld [smem:$0x3F94];
	_ =	swait.ge [sflag:s4], $0x0  }
0x19: {  	s7 =	sld [smem:$0x3F95]  }
0x1a: {  	s8 =	sadd.s32 $0xFFFFE003, lr  }
0x1b: {  	s9 =	sadd.s32 $0xFFFFFEF7, lr;
	s5 =	simm.s32 $0xFFFFFFFF;
	p2 =	slt.u32 s8, $0xFFFFF086  }
0x1c: {  	p1 =	slt.u32 s9, $0xF7A;
	s5 =	simm.s32 @!p2 $0x0  }
0x1d: {  	s5 =	simm.s32 @p1 $0x1;
	p0 =	seq.s32 s7, s2  }
0x1e: {  	s7 =	smul.u32 @!p0 $0xF7A, s2;
	p2 =	seq.s32 @!p0 s5, $0x0  }
0x1f: {  	s9 =	smul.u32 $0xF7A, s1;
	s8 =	simm.s32 @!p0 $0x1BF5;
	p2 =	por !p2, p0  }
0x20: {  	[sflag:s8] =	ssyncset.s32 @!p0 $0xFFFFF086;
	s6 =	sadd.s32 @!p0 s3, s7;
	s7 =	simm.s32 @!p0 $0x108  }
0x21: {  	s3 =	sadd.s32 s3, s9;
	s6 =	sadd.s32 @!p0 $0x88, s6;
	s7 =	simm.s32 @p2 $0x1082  }
0x22: {  	[simem:s7], [sflag:s8] =	dma.local @!p0 [hbm:s6], $0xF7A  }
0x23: {  	s9 =	sor.u32 $0xD0000000, s2;
	s6 =	simm.s32 $0x108;
	_ =	swait.ge @!p0 [sflag:s8], $0x0  }
0x24: {  	s3 =	sadd.s32 $0x88, s3;
	s6 =	simm.s32 @!p1 $0x1082;
	[sflag:s4] =	ssyncset.s32 $0xFFFFF086  }
0x25: {  	[simem:s6], [sflag:s4] =	dma.local [hbm:s3], $0xF7A  }
0x26: {  	[smem:$0x3F95] =	sst s1;
	(tag) =	ssettag s2;
	_ =	strace s9  }
0x27: {  	s1 =	sld [smem:$0x3FA5]  }
0x28: {  	s2 =	sld [smem:$0x3FA6]  }
0x29: {  	s4 =	sld [smem:$0x3FA8]  }
0x2a: {  	p0 =	seq.s32 s5, $0x0;
	s5 =	sld [smem:$0x3FA9]  }
0x2b: {  	s6 =	sld [smem:$0x3FAA]  }
0x2c: {  	s7 =	sld [smem:$0x3FAB]  }
0x2d: {  	s3 =	simm.s32 $0x108;
	s8 =	sld [smem:$0x3FAC]  }
0x2e: {  	s3 =	simm.s32 @!p0 $0x1082;
	s9 =	sld [smem:$0x3FAD]  }
0x2f: {  	lr =	sadd.s32 s0, s3;
	s0 =	sld [smem:$0x3FA4]  }
0x30: {  	s3 =	sld [smem:$0x3FA7]  }
0x31: {  	[smem:$0x3FB0] =	sst s10  }
0x32: {  	s10 =	sld [smem:$0x3FAE];
	_ =	sdelay $0x3  }
0x33: {  	p0 =	seq.s32 s10, $0x1;
	s10 =	sld [smem:$0x3FB0];
	_ =	sdelay $0x3  }
0x34: {  	[smem:$0x3FB0] =	sst s10  }
0x35: {  	s10 =	sld [smem:$0x3FAF];
	_ =	sdelay $0x3  }
0x36: {  	p1 =	seq.s32 s10, $0x1;
	s10 =	sld [smem:$0x3FB0];
	_ =	sdelay $0x3  }
0x37: {  	[smem:$0x3FB0] =	sst s10  }
0x38: {  	s10 =	sld [smem:$0x3FB1]  }
0x39: {  	_ = 	snop;
	(pc) =	sbr.ind lr, $3  }
0x3a: {  	_ = 	snop  }
0x3b: {  	_ = 	snop  }
0x3c: {  	p2 =	seq.s32 s10, $0x1;
	s10 =	sld [smem:$0x3FB0]  }
0x3d: {  	_ =	shalt  }
0x3e: {  	_ =	shalt  }
0x3f: {  	_ =	shalt  }
0x40: {  	_ =	shalt  }
0x41: {  	_ =	shalt  }
0x42: {  	_ =	shalt  }
0x43: {  	_ =	shalt  }
0x44: {  	_ =	shalt  }
0x45: {  	_ =	shalt  }
0x46: {  	_ =	shalt  }
0x47: {  	_ =	shalt  }
0x48: {  	_ =	shalt  }
0x49: {  	_ =	shalt  }
0x4a: {  	_ =	shalt  }
0x4b: {  	_ =	shalt  }
0x4c: {  	_ =	shalt  }
0x4d: {  	_ =	shalt  }
0x4e: {  	_ =	shalt  }
0x4f: {  	_ =	shalt  }
0x50: {  	_ =	shalt  }
0x51: {  	_ =	shalt  }
0x52: {  	_ =	shalt  }
0x53: {  	_ =	shalt  }
0x54: {  	_ =	shalt  }
0x55: {  	_ =	shalt  }
0x56: {  	_ =	shalt  }
0x57: {  	_ =	shalt  }
0x58: {  	_ =	shalt  }
0x59: {  	_ =	shalt  }
0x5a: {  	_ =	shalt  }
0x5b: {  	_ =	shalt  }
0x5c: {  	_ =	shalt  }
0x5d: {  	_ =	shalt  }
0x5e: {  	_ =	shalt  }
0x5f: {  	_ =	shalt  }
0x60: {  	_ =	shalt  }
0x61: {  	_ =	shalt  }
0x62: {  	_ =	shalt  }
0x63: {  	_ =	shalt  }
0x64: {  	_ =	shalt  }
0x65: {  	_ =	shalt  }
0x66: {  	_ =	shalt  }
0x67: {  	_ =	shalt  }
0x68: {  	_ =	shalt  }
0x69: {  	_ =	shalt  }
0x6a: {  	_ =	shalt  }
0x6b: {  	_ =	shalt  }
0x6c: {  	_ =	shalt  }
0x6d: {  	_ =	shalt  }
0x6e: {  	_ =	shalt  }
0x6f: {  	_ =	shalt  }
0x70: {  	_ =	shalt  }
0x71: {  	_ =	shalt  }
0x72: {  	_ =	shalt  }
0x73: {  	_ =	shalt  }
0x74: {  	_ =	shalt  }
0x75: {  	_ =	shalt  }
0x76: {  	_ =	shalt  }
0x77: {  	_ =	shalt  }
0x78: {  	_ =	shalt  }
0x79: {  	_ =	shalt  }
0x7a: {  	_ =	shalt  }
0x7b: {  	_ =	shalt  }
0x7c: {  	_ =	shalt  }
0x7d: {  	_ =	shalt  }
0x7e: {  	_ =	shalt  }
0x7f: {  	_ =	shalt  }
0x80: {  	_ =	shalt  }
0x81: {  	_ =	shalt  }
0x82: {  	_ =	shalt  }
0x83: {  	_ =	shalt  }
0x84: {  	_ =	shalt  }
0x85: {  	_ =	shalt  }
0x86: {  	_ =	shalt  }
0x87: {  	_ =	shalt  }
.Lfunc_end0:
.L_simem_size_0:
called_computation.1_lowered:
.L_overlay_start_0:
0x88: {  	s2 =	sld [smem:$0x3FD9]  }
0x89: {  	s3 =	sld [smem:$0x3FFE];
	_ =	sdelay $0x1  }
0x8a: {  	s1 =	srdreg.scid  }
0x8b: {  	s0 =	sand.u32 $0x1, s1  }
0x8c: {  	s14 =	sshll.u32 s0, $0xA;
	s2 =	sadd.s32 s3, s2  }
0x8d: {  	s2 =	sadd.s32 s2, s14  }
0x8e: {  	[smem:$0x3FBC] =	sst s2  }
0x8f: {  	_ = 	snop  }
0x90: {  	s2 =	sld [smem:$0x3FD0];
	_ =	sdelay $0x2  }
0x91: {  	s15 =	simm.s32 $0xA;
	s4 =	simm.s32 $0x10  }
0x92: {  	[smem:s4], [sflag:s15] =	dma.local [hbm:s2], $0x1  }
0x93: {  	_ =	swait.eq [sflag:s15], $0x1  }
0x94: {  	[sflag:s15] =	ssyncset.done $0x0  }
0x95: {  	[sflag:s15] =	ssyncadd.s32 $0xFFFFFFFF  }
0x96: {  	s16 =	sld [smem:$0x10];
	(tm) =	ssettm $0x1  }
0x97: {  	s17 =	sld [smem:$0x3FFB];
	_ =	sdelay $0x3  }
0x98: {  	_ =	strace s17  }
0x99: {  	s3 =	sld [smem:$0x3FFC];
	_ =	sdelay $0x3  }
0x9a: {  	_ =	strace s3  }
0x9b: {  	s3 =	sld [smem:$0x3FFD];
	_ =	sdelay $0x3  }
0x9c: {  	_ =	strace s3  }
0x9d: {  	_ =	strace $0x8FFFFFFF  }
0x9e: {  	s18 =	sld [smem:$0x3FDB];
	_ =	sdelay $0x1  }
0x9f: {  	s19 =	simm.s32 $_scs_section_size  }
0xa0: {  	s5 =	simm.s32 $_size__tile_overlayer_lowered;
	s6 =	simm.s32 $_tile_overlayer_lowered  }
0xa1: {  	s22 =	simm.s32 $0x1BFF;
	s21 =	sshll.u32 s6, $0x1;
	s3 =	sadd.s32 s19, s18  }
0xa2: {  	s7 =	simm.s32 $0x0;
	s20 =	sshll.u32 s5, $0x1;
	s5 =	sadd.s32 s21, s3  }
0xa3: {  	[timem:s7], [sflag:s22] =	dma.local [hbm:s5], s20  }
0xa4: {  	_ =	swait.ge [sflag:s22], s20  }
0xa5: {  	s4 =	ssub.s32 $0x0, s20;
	[sflag:s22] =	ssyncset.done $0x0  }
0xa6: {  	[sflag:s22] =	ssyncadd.s32 s4;
	_ =	sdelay $0x1  }
0xa7: {  	s23 =	simm.s32 $0x1B8B  }
0xa8: {  	_ =	swait.ge [sflag:s23], $0x1  }
0xa9: {  	[sflag:s23] =	ssyncset.done $0x0  }
0xaa: {  	s25 =	simm.s32 $0x1B8E;
	s24 =	sld [smem:$0x3FFE];
	[sflag:s23] =	ssyncadd.s32 $0xFFFFFFFF  }
0xab: {  	s26 =	simm.s32 $execute0_lowered;
	[smem:$0x3FD2] =	sst s25  }
0xac: {  	s5 =	sshll.u32 s26, $0x1;
	_ =	strace $0x80000049;
	[dreg:$0x1] =	wrdreg $0xFFFFFFFF  }
0xad: {  	s28 =	simm.s32 $_size_execute0_lowered;
	s3 =	sadd.s32 s3, s5;
	[dreg:$0x0] =	wrdreg $0x0  }
0xae: {  	s5 =	sshll.u32 s28, $0x1;
	[dreg:$0x2] =	wrdreg s3  }
0xaf: {  	[dreg:$0x3] =	wrdreg s5  }
0xb0: {  	[dreg:$0x4] =	wrdreg $0xC0  }
0xb1: {  	_ =	task [dreg:s7], $0x5FFFF  }
0xb2: {  	[dreg:$0x1] =	wrdreg $0xFFFFFFFF  }
0xb3: {  	[dreg:$0x0] =	wrdreg $0x60  }
0xb4: {  	[dreg:$0x2] =	wrdreg s24  }
0xb5: {  	[dreg:$0x3] =	wrdreg s16  }
0xb6: {  	[dreg:$0x4] =	wrdreg $0x0  }
0xb7: {  	[dreg:$0x5] =	wrdreg $0x9  }
0xb8: {  	_ =	task.clear_ibuf [dreg:s7], $0x6FFFF;
	_ =	strace $0x90000049  }
0xb9: {  	s29 =	simm.s32 $0x9;
	_ =	strace $0x8000004B  }
0xba: {  	_ =	swait.ge [sflag:s29], $0x1  }
0xbb: {  	[sflag:s29] =	ssyncadd.s32 $0xFFFFFFFF  }
0xbc: {  	_ =	strace $0x9000004B  }
0xbd: {  	_ =	sfence  }
0xbe: {  	s30 =	sld [smem:$0x0];
	_ =	sdelay $0x2  }
0xbf: {  	s31 =	sshll.u32 s1, $0xD;
	s1 =	sshrl.u32 s1, $0x2  }
0xc0: {  	s3 =	sand.u32 $0x4000, s31;
	s1 =	sadd.s32 s1, s30  }
0xc1: {  	s0 =	sor.u32 s3, s0;
	s1 =	sshll.u32 s1, $0x11  }
0xc2: {  	s0 =	sor.u32 s1, s0  }
0xc3: {  	s0 =	sadd.s32 $0x8F2B, s0  }
0xc4: {  	[sflag:s0] =	ssyncadd.remote.s32 $0x1  }
0xc5: {  	_ =	sfence.sel $0xFFFF  }
0xc6: {  	[dreg:$0x0] =	wrdreg $0xFFFFFFFF;
	(pc) =	sbr.abs _section_cstart, $3  }
0xc7: {  	[dreg:$0x1] =	wrdreg $0xFFFFFFFF  }
0xc8: {  	_ =	task.clear_ibuf [dreg:s7], $0x2FFFF;
	_ =	strace $0x9FFFFFFF  }
0xc9: {  	(tm) =	ssettm $0x7FFFFFFF  }
tec
execute0_lowered:
.L_overlay_start_1:
0x0: {  	(tag) =	ssettag $0x1  }
0x1: {  	s0 =	rddreg [dreg:$0x0]  }
0x2: {  	s2 =	rddreg [dreg:$0x1]  }
0x3: {  	s1 =	rddreg [dreg:$0x2];
	s3 =	simm.s32 $0x0;
	s4 =	srdreg.scid  }
0x4: {  	s14 =	stileid.u32;
	s28 =	simm.s32 $0x3;
	s29 =	simm.s32 $0x5  }
0x5: {  	s30 =	simm.s32 $0x50;
	s31 =	simm.s32 $0x13A00;
	[smem:$0x7FF] =	sst s3  }
0x6: {  	s7 =	sand.u32 $0x1, s4;
	s8 =	smul.u32 $0x13880, s14;
	s4 =	sadd.s32 $0x17A00, s0  }
0x7: {  	s5 =	sadd.s32 $0x6FA00, s0;
	s6 =	sadd.s32 $0x83400, s0;
	s13 =	smul.u32 $0x4E20, s14  }
0x8: {  	s10 =	sadd.s32 $0x14C00, s0;
	s15 =	sadd.s32 $0x17400, s0;
	s17 =	smul.u32 $0x2710, s14  }
0x9: {  	_ =	strace $0x8000004A;
	s9 =	smul.u32 $0x138800, s7;
	[dreg:$0x4] =	wrdreg s10  }
0xa: {  	s26 =	ssub.s32 $0x2, s7;
	s11 =	smul.u32 $0x4E200, s7;
	[dreg:$0x5] =	wrdreg s15  }
0xb: {  	s7 =	smul.u32 $0x27100, s7;
	s15 =	sshll.u32 s14, $0x6;
	s12 =	sshrl.u32 s26, $0x1  }
0xc: {  	s9 =	sadd.s32 s8, s9;
	s10 =	ssub.s32 s26, s12;
	s8 =	sadd.s32 s8, s1  }
0xd: {  	s11 =	sadd.s32 s13, s11;
	s7 =	sadd.s32 s17, s7;
	s9 =	sshrl.u32 s9, $0x3  }
0xe: {  	s16 =	sshrl.u32 s11, $0x3;
	s7 =	sshrl.u32 s7, $0x3;
	s22 =	sadd.s32 $0xF0, s11  }
0xf: {  	s25 =	smax.u32 s10, $0x1;
	s26 =	sadd.s32 $0xA0, s11;
	s10 =	simm.s32 $0x2  }
0x10: {  	s11 =	simm.s32 $0x0;
	s0 =	sadd.s32 s9, s0;
	s9 =	sor.u32 $0x1C07, s15  }
0x11: {  	s18 =	sadd.s32 s5, s16;
	s19 =	sadd.s32 $0xA, s16;
	s12 =	sadd.s32 s6, s16  }
0x12: {  	s23 =	sadd.s32 s2, s7;
	s24 =	sshrl.u32 s22, $0x3;
	[dreg:$0xc] =	wrdreg s25  }
0x13: {  	[dreg:$0xd] =	wrdreg s26;
	s22 =	simm.s32 $0x18A00;
	s25 =	simm.s32 $0x13910  }
0x14: {  	s26 =	simm.s32 $0x139B0;
	s2 =	simm.s32 $0x6;
	[dreg:$0x6] =	wrdreg s18  }
0x15: {  	s7 =	simm.s32 $0x16200;
	[dreg:$0x7] =	wrdreg s12;
	s20 =	sadd.s32 s5, s19  }
.Ltmp0:
0x16: {  	s21 =	sadd.s32 s6, s19;
	[dreg:$0xb] =	wrdreg s23;
	(pc) =	sbr.rel .LBB2_1-.Ltmp0, $4  }
0x17: {  	s0 =	sadd.s32 $0x96E00, s0;
	s17 =	sadd.s32 s24, s6;
	[dreg:$0x8] =	wrdreg s20  }
0x18: {  	s18 =	sadd.s32 s24, s5;
	s23 =	simm.s32 $0x138C0;
	[dreg:$0x9] =	wrdreg s21  }
0x19: {  	s24 =	simm.s32 $0x13960;
	[dreg:$0xa] =	wrdreg s0;
	s20 =	sshrl.u32 s8, $0x3  }
0x1a: {  	v0 =	vimm.f32 $1.000000000e+00;
	s21 =	simm.s32 $0x7;
	s0 =	simm.s32 $0x4;
	s8 =	simm.s32 $0x1  }
.LBB2_4:
0x1b: {  	[bflag:$0x0] =	sbarrier.arrive $0xFFFF  }
0x1c: {  	s12 =	rddreg [dreg:$0xa]  }
0x1d: {  	[hbm:s12], [sflag:s9] =	dma.local [spmem:s20], $0x2710  }
0x1e: {  	_ =	swait.ge [sflag:s21], $0x2710  }
0x1f: {  	[sflag:s21] =	ssyncset.done $0x0  }
0x20: {  	s16 =	rddreg [dreg:$0xb];
	[sflag:s21] =	ssyncadd.s32 $0xFFFFD8F0  }
0x21: {  	[hbm4b:s16+s3] =	stream.linear.scatter [tilespmem:s22], [sflag:$0x7], $0x2710, $0x38;
	[tilespmem:$0x1B118] =	vst v63  }
0x22: {  	_ =	swait.ge [sflag:s21], $0x2710  }
0x23: {  	s11 =	sadd.s32 $0x1, s11;
	s19 =	rddreg [dreg:$0xc]  }
0x24: {  	p0 =	sne.s32 s11, s19  }
.Ltmp1:
0x25: {  	_ = 	snop;
	(pc) =	sbr.rel @!p0 .LBB2_5-.Ltmp1, $3  }
0x26: {  	_ =	sdelay $0x1  }
0x27: {  	[sflag:s21] =	ssyncset.done $0x0  }
0x28: {  	[sflag:s21] =	ssyncadd.s32 $0xFFFFD8F0  }
.LBB2_1:
0x29: {  	s12 =	rddreg [dreg:$0x4]  }
0x2a: {  	[spmem:s20], [sflag:s9] =	dma.local [hbm:s12], $0x2710  }
0x2b: {  	_ =	swait.ge [sflag:s21], $0x2710  }
0x2c: {  	[sflag:s21] =	ssyncset.done $0x0  }
0x2d: {  	s13 =	rddreg [dreg:$0x5];
	[sflag:s21] =	ssyncadd.s32 $0xFFFFD8F0  }
0x2e: {  	[tilespmem:s22], [sflag:$0x7] =	stream.linear.gather [hbm4b:s13+s3], $0x2710, $0x38;
	[tilespmem:$0x1B118] =	vst v63  }
0x2f: {  	_ =	swait.ge [sflag:s21], $0x2710  }
0x30: {  	[sflag:s21] =	ssyncset.done $0x0  }
0x31: {  	[sflag:s21] =	ssyncadd.s32 $0xFFFFD8F0  }
0x32: {  	[bflag:$0x0] =	sbarrier.arrive $0xFFFF  }
0x33: {  	s14 =	rddreg [dreg:$0x6]  }
0x34: {  	[tilespmem:s23], [sflag:$0x3] =	stream.linear.gather [hbm4b:s14+s3], $0x50, $0x38;
	[tilespmem:$0x1B118] =	vst v63  }
0x35: {  	s15 =	rddreg [dreg:$0x7]  }
0x36: {  	[tilespmem:s24], [sflag:$0x5] =	stream.linear.gather [hbm4b:s15+s3], $0x50, $0x38;
	[tilespmem:$0x1B118] =	vst v63  }
0x37: {  	s16 =	rddreg [dreg:$0x8]  }
0x38: {  	[tilespmem:s25], [sflag:$0x4] =	stream.linear.gather [hbm4b:s16+s3], $0x50, $0x38;
	[tilespmem:$0x1B118] =	vst v63  }
0x39: {  	s19 =	rddreg [dreg:$0x9]  }
0x3a: {  	[tilespmem:s26], [sflag:$0x6] =	stream.linear.gather [hbm4b:s19+s3], $0x50, $0x38;
	[tilespmem:$0x1B118] =	vst v63  }
0x3b: {  	_ =	swait.ge [sflag:s28], $0x50  }
0x3c: {  	[sflag:s28] =	ssyncset.done $0x0  }
0x3d: {  	[sflag:s28] =	ssyncadd.s32 $0xFFFFFFB0  }
0x3e: {  	_ =	swait.ge [sflag:s29], $0x50  }
0x3f: {  	[sflag:s29] =	ssyncset.done $0x0  }
0x40: {  	s13 =	simm.s32 $0x0;
	s19 =	rddreg [dreg:$0xd];
	[sflag:s29] =	ssyncadd.s32 $0xFFFFFFB0  }
0x41: {  	[tilespmem:s31], [sflag:$0x1] =	stream.indirect.gather [hbm4b:s4+s30], $0x80, s23, s30, $0xb8;
	[tilespmem:$0x1B118] =	vst v63  }
.LBB2_2:
0x42: {  	_ =	swait.ge [sflag:s0], $0x50  }
0x43: {  	[sflag:s0] =	ssyncset.done $0x0  }
0x44: {  	[sflag:s0] =	ssyncadd.s32 $0xFFFFFFB0  }
0x45: {  	_ =	swait.ge [sflag:s2], $0x50  }
0x46: {  	[sflag:s2] =	ssyncset.done $0x0  }
0x47: {  	[sflag:s2] =	ssyncadd.s32 $0xFFFFFFB0  }
0x48: {  	[tilespmem:s7], [sflag:$0x2] =	stream.indirect.gather [hbm4b:s4+s30], $0x80, s25, s30, $0xb8;
	[tilespmem:$0x1B118] =	vst v63  }
0x49: {  	_ =	swait.ge [sflag:s8], $0x2800  }
0x4a: {  	[sflag:s8] =	ssyncset.done $0x0  }
0x4b: {  	[sflag:s8] =	ssyncadd.s32 $0xFFFFD800  }
0x4c: {  	v1 =	vld [tilespmem:$0x13960];
	_ =	sdelay $0x7  }
0x4d: {  	[tilespmem:v1+s22+$0x0] =	vst.idx.add.f32.msk $0xffff, v0  }
0x4e: {  	v1 =	vld [tilespmem:$0x13970];
	_ =	sdelay $0x7  }
0x4f: {  	[tilespmem:v1+s22+$0x0] =	vst.idx.add.f32.msk $0xffff, v0  }
0x50: {  	v1 =	vld [tilespmem:$0x13980];
	_ =	sdelay $0x7  }
0x51: {  	[tilespmem:v1+s22+$0x0] =	vst.idx.add.f32.msk $0xffff, v0  }
0x52: {  	v1 =	vld [tilespmem:$0x13990];
	_ =	sdelay $0x7  }
0x53: {  	[tilespmem:v1+s22+$0x0] =	vst.idx.add.f32.msk $0xffff, v0  }
0x54: {  	v1 =	vld [tilespmem:$0x139A0];
	_ =	sdelay $0x7  }
0x55: {  	[tilespmem:v1+s22+$0x0] =	vst.idx.add.f32.msk $0xffff, v0  }
0x56: {  	[spmem:s1] =	stream.indirect.scatter.add.f32 [tilespmem:s31], [sflag:$0x7], $0x80, s24, s30, $0xb8;
	[tilespmem:$0x1B118] =	vst v63  }
0x57: {  	p0 =	seq.s32 s13, $0x9B0;
	_ =	swait.ge [sflag:s21], $0x2800  }
0x58: {  	s14 =	sshrl.u32 @!p0 s19, $0x3;
	s16 =	simm.s32 @!p0 $0x0;
	[sflag:s21] =	ssyncset.done $0x0  }
0x59: {  	s12 =	simm.s32 @!p0 $0x138C0;
	s15 =	sadd.s32 @!p0 s5, s14;
	[sflag:s21] =	ssyncadd.s32 $0xFFFFD800  }
0x5a: {  	[tilespmem:s12], [sflag:$0x3] =	stream.linear.gather @!p0 [hbm4b:s15+s16], $0x50, $0x38;
	[tilespmem:$0x1B118] =	vst v63  }
0x5b: {  	s14 =	sadd.s32 @!p0 s6, s14;
	s15 =	simm.s32 @!p0 $0x13960  }
0x5c: {  	[tilespmem:s15], [sflag:$0x5] =	stream.linear.gather @!p0 [hbm4b:s14+s16], $0x50, $0x38;
	[tilespmem:$0x1B118] =	vst v63  }
0x5d: {  	s14 =	simm.s32 @!p0 $0x3  }
0x5e: {  	_ =	swait.ge @!p0 [sflag:s14], $0x50  }
0x5f: {  	[sflag:s14] =	ssyncset.done @!p0 $0x0  }
0x60: {  	[sflag:s14] =	ssyncadd.s32 @!p0 $0xFFFFFFB0;
	s14 =	simm.s32 @!p0 $0x5  }
0x61: {  	_ =	swait.ge @!p0 [sflag:s14], $0x50  }
0x62: {  	[sflag:s14] =	ssyncset.done @!p0 $0x0  }
0x63: {  	s15 =	simm.s32 @!p0 $0x13A00;
	[sflag:s14] =	ssyncadd.s32 @!p0 $0xFFFFFFB0;
	s14 =	simm.s32 @!p0 $0x50  }
0x64: {  	[tilespmem:s15], [sflag:$0x1] =	stream.indirect.gather @!p0 [hbm4b:s4+s14], $0x80, s12, s14, $0xb8;
	[tilespmem:$0x1B118] =	vst v63  }
0x65: {  	_ =	swait.ge [sflag:s10], $0x2800  }
0x66: {  	[sflag:s10] =	ssyncset.done $0x0  }
0x67: {  	[sflag:s10] =	ssyncadd.s32 $0xFFFFD800  }
0x68: {  	v1 =	vld [tilespmem:$0x139B0];
	_ =	sdelay $0x7  }
0x69: {  	[tilespmem:v1+s22+$0x0] =	vst.idx.add.f32.msk $0xffff, v0  }
0x6a: {  	v1 =	vld [tilespmem:$0x139C0];
	_ =	sdelay $0x7  }
0x6b: {  	[tilespmem:v1+s22+$0x0] =	vst.idx.add.f32.msk $0xffff, v0  }
0x6c: {  	v1 =	vld [tilespmem:$0x139D0];
	_ =	sdelay $0x7  }
0x6d: {  	[tilespmem:v1+s22+$0x0] =	vst.idx.add.f32.msk $0xffff, v0  }
0x6e: {  	v1 =	vld [tilespmem:$0x139E0];
	_ =	sdelay $0x7  }
0x6f: {  	[tilespmem:v1+s22+$0x0] =	vst.idx.add.f32.msk $0xffff, v0  }
0x70: {  	v1 =	vld [tilespmem:$0x139F0];
	_ =	sdelay $0x7  }
.Ltmp2:
0x71: {  	[tilespmem:v1+s22+$0x0] =	vst.idx.add.f32.msk $0xffff, v0;
	(pc) =	sbr.rel @p0 .LBB2_4-.Ltmp2, $4  }
0x72: {  	[spmem:s1] =	stream.indirect.scatter.add.f32 [tilespmem:s7], [sflag:$0x7], $0x80, s26, s30, $0xb8;
	[tilespmem:$0x1B118] =	vst v63  }
0x73: {  	_ =	swait.ge [sflag:s21], $0x2800  }
0x74: {  	[sflag:s21] =	ssyncset.done $0x0  }
0x75: {  	[sflag:s21] =	ssyncadd.s32 $0xFFFFD800  }
.Ltmp3:
0x76: {  	(pc) =	sbr.rel .LBB2_2-.Ltmp3, $4  }
0x77: {  	s12 =	sadd.s32 s13, s18  }
0x78: {  	[tilespmem:s25], [sflag:$0x4] =	stream.linear.gather [hbm4b:s12+s3], $0x50, $0x38;
	[tilespmem:$0x1B118] =	vst v63  }
0x79: {  	s16 =	sadd.s32 s13, s17;
	s13 =	sadd.s32 $0x14, s13;
	s19 =	sadd.s32 $0xA0, s19  }
0x7a: {  	[tilespmem:s26], [sflag:$0x6] =	stream.linear.gather [hbm4b:s16+s3], $0x50, $0x38;
	[tilespmem:$0x1B118] =	vst v63  }
.LBB2_5:
0x7b: {  	_ =	sfence.sel $0x180000  }
0x7c: {  	[bflag:$0x0] =	sbarrier.arrive $0xFFFF  }
0x7d: {  	_ =	strace $0x9000004A  }
0x7e: {  	s0 =	stileid.u32;
	[bflag:$0x2] =	sbarrier.arrive $0xFFFF  }
0x7f: {  	p0 =	sne.s32 s0, $0x0;
	s0 =	rddreg [dreg:$0x3]  }
0x80: {  	s0 =	sadd.s32 @!p0 $0x100000, s0  }
0x81: {  	[sflag:s0] =	ssyncadd.tile.s32 @!p0 $0x1;
	_ =	shalt  }
.Lfunc_end2:
_tile_overlayer_lowered:
.L_overlay_start_2:
0x82: {  	(tag) =	ssettag $0x2  }
0x83: {  	s0 =	rddreg [dreg:$0x0];
	s2 =	stileid.u32  }
0x84: {  	s1 =	rddreg [dreg:$0x1];
	p0 =	sne.s32 s2, $0x0  }
0x85: {  	s3 =	rddreg [dreg:$0x2];
	[bflag:$0x3] =	sbarrier.arrive $0xFFFF;
	s2 =	simm.s32 @!p0 $0x1C07  }
0x86: {  	[timem:s3], [sflag:s2] =	dma.local @!p0 [hbm:s0], s1  }
0x87: {  	s0 =	simm.s32 @!p0 $0x7  }
0x88: {  	_ =	swait.ge @!p0 [sflag:s0], s1  }
0x89: {  	s1 =	ssub.s32 @!p0 $0x0, s1;
	[sflag:s0] =	ssyncset.done @!p0 $0x0  }
0x8a: {  	[sflag:s0] =	ssyncadd.s32 @!p0 s1  }
0x8b: {  	[bflag:$0x3] =	sbarrier.arrive $0xFFFF  }
0x8c: {  	_ =	shalt  }

// kernel: kernel.14.cloned.1.call-start
scs
__scs_entry_jumppad:
0x0: {  	(pc) =	sbr.rel $0x88, $3  }
0x1: {  	(tag) =	ssettag $0x0;
	lr =	simm.s32 $0x1  }
0x2: {  	[smem:$0x3F95] =	sst lr;
	_ =	strace $0xD0000000  }
0x3: {  	_ = 	snop  }
0x4: {  	_ = 	snop  }
0x5: {  	_ = 	snop  }
0x6: {  	_ = 	snop  }
0x7: {  	_ = 	snop  }
__scs_overlays_trampoline_lowered:
0x8: {  	[smem:$0x3FA4] =	sst s0  }
0x9: {  	[smem:$0x3FA5] =	sst s1  }
0xa: {  	[smem:$0x3FA6] =	sst s2  }
0xb: {  	[smem:$0x3FA7] =	sst s3  }
0xc: {  	[smem:$0x3FA8] =	sst s4  }
0xd: {  	[smem:$0x3FA9] =	sst s5  }
0xe: {  	[smem:$0x3FAA] =	sst s6  }
0xf: {  	[smem:$0x3FAB] =	sst s7  }
0x10: {  	[smem:$0x3FAC] =	sst s8  }
0x11: {  	[smem:$0x3FAD] =	sst s9;
	s0 =	simm.s32 @!p0 $0x0  }
0x12: {  	s1 =	sld [smem:$0x3F93];
	s0 =	simm.s32 @p0 $0x1  }
0x13: {  	[smem:$0x3FAE] =	sst s0;
	s0 =	simm.s32 @!p1 $0x0  }
0x14: {  	s2 =	sld [smem:$0x3F92];
	s0 =	simm.s32 @p1 $0x1  }
0x15: {  	[smem:$0x3FAF] =	sst s0;
	s0 =	simm.s32 @!p2 $0x0  }
0x16: {  	s3 =	sld [smem:$0x3FDB];
	s0 =	simm.s32 @p2 $0x1  }
0x17: {  	s4 =	simm.s32 $0x1BF5;
	[smem:$0x3FB1] =	sst s0  }
0x18: {  	s0 =	sld [smem:$0x3F94];
	_ =	swait.ge [sflag:s4], $0x0  }
0x19: {  	s7 =	sld [smem:$0x3F95]  }
0x1a: {  	s8 =	sadd.s32 $0xFFFFE003, lr  }
0x1b: {  	s9 =	sadd.s32 $0xFFFFFEF7, lr;
	s5 =	simm.s32 $0xFFFFFFFF;
	p2 =	slt.u32 s8, $0xFFFFF086  }
0x1c: {  	p1 =	slt.u32 s9, $0xF7A;
	s5 =	simm.s32 @!p2 $0x0  }
0x1d: {  	s5 =	simm.s32 @p1 $0x1;
	p0 =	seq.s32 s7, s2  }
0x1e: {  	s7 =	smul.u32 @!p0 $0xF7A, s2;
	p2 =	seq.s32 @!p0 s5, $0x0  }
0x1f: {  	s9 =	smul.u32 $0xF7A, s1;
	s8 =	simm.s32 @!p0 $0x1BF5;
	p2 =	por !p2, p0  }
0x20: {  	[sflag:s8] =	ssyncset.s32 @!p0 $0xFFFFF086;
	s6 =	sadd.s32 @!p0 s3, s7;
	s7 =	simm.s32 @!p0 $0x108  }
0x21: {  	s3 =	sadd.s32 s3, s9;
	s6 =	sadd.s32 @!p0 $0x88, s6;
	s7 =	simm.s32 @p2 $0x1082  }
0x22: {  	[simem:s7], [sflag:s8] =	dma.local @!p0 [hbm:s6], $0xF7A  }
0x23: {  	s9 =	sor.u32 $0xD0000000, s2;
	s6 =	simm.s32 $0x108;
	_ =	swait.ge @!p0 [sflag:s8], $0x0  }
0x24: {  	s3 =	sadd.s32 $0x88, s3;
	s6 =	simm.s32 @!p1 $0x1082;
	[sflag:s4] =	ssyncset.s32 $0xFFFFF086  }
0x25: {  	[simem:s6], [sflag:s4] =	dma.local [hbm:s3], $0xF7A  }
0x26: {  	[smem:$0x3F95] =	sst s1;
	(tag) =	ssettag s2;
	_ =	strace s9  }
0x27: {  	s1 =	sld [smem:$0x3FA5]  }
0x28: {  	s2 =	sld [smem:$0x3FA6]  }
0x29: {  	s4 =	sld [smem:$0x3FA8]  }
0x2a: {  	p0 =	seq.s32 s5, $0x0;
	s5 =	sld [smem:$0x3FA9]  }
0x2b: {  	s6 =	sld [smem:$0x3FAA]  }
0x2c: {  	s7 =	sld [smem:$0x3FAB]  }
0x2d: {  	s3 =	simm.s32 $0x108;
	s8 =	sld [smem:$0x3FAC]  }
0x2e: {  	s3 =	simm.s32 @!p0 $0x1082;
	s9 =	sld [smem:$0x3FAD]  }
0x2f: {  	lr =	sadd.s32 s0, s3;
	s0 =	sld [smem:$0x3FA4]  }
0x30: {  	s3 =	sld [smem:$0x3FA7]  }
0x31: {  	[smem:$0x3FB0] =	sst s10  }
0x32: {  	s10 =	sld [smem:$0x3FAE];
	_ =	sdelay $0x3  }
0x33: {  	p0 =	seq.s32 s10, $0x1;
	s10 =	sld [smem:$0x3FB0];
	_ =	sdelay $0x3  }
0x34: {  	[smem:$0x3FB0] =	sst s10  }
0x35: {  	s10 =	sld [smem:$0x3FAF];
	_ =	sdelay $0x3  }
0x36: {  	p1 =	seq.s32 s10, $0x1;
	s10 =	sld [smem:$0x3FB0];
	_ =	sdelay $0x3  }
0x37: {  	[smem:$0x3FB0] =	sst s10  }
0x38: {  	s10 =	sld [smem:$0x3FB1]  }
0x39: {  	_ = 	snop;
	(pc) =	sbr.ind lr, $3  }
0x3a: {  	_ = 	snop  }
0x3b: {  	_ = 	snop  }
0x3c: {  	p2 =	seq.s32 s10, $0x1;
	s10 =	sld [smem:$0x3FB0]  }
0x3d: {  	_ =	shalt  }
0x3e: {  	_ =	shalt  }
0x3f: {  	_ =	shalt  }
0x40: {  	_ =	shalt  }
0x41: {  	_ =	shalt  }
0x42: {  	_ =	shalt  }
0x43: {  	_ =	shalt  }
0x44: {  	_ =	shalt  }
0x45: {  	_ =	shalt  }
0x46: {  	_ =	shalt  }
0x47: {  	_ =	shalt  }
0x48: {  	_ =	shalt  }
0x49: {  	_ =	shalt  }
0x4a: {  	_ =	shalt  }
0x4b: {  	_ =	shalt  }
0x4c: {  	_ =	shalt  }
0x4d: {  	_ =	shalt  }
0x4e: {  	_ =	shalt  }
0x4f: {  	_ =	shalt  }
0x50: {  	_ =	shalt  }
0x51: {  	_ =	shalt  }
0x52: {  	_ =	shalt  }
0x53: {  	_ =	shalt  }
0x54: {  	_ =	shalt  }
0x55: {  	_ =	shalt  }
0x56: {  	_ =	shalt  }
0x57: {  	_ =	shalt  }
0x58: {  	_ =	shalt  }
0x59: {  	_ =	shalt  }
0x5a: {  	_ =	shalt  }
0x5b: {  	_ =	shalt  }
0x5c: {  	_ =	shalt  }
0x5d: {  	_ =	shalt  }
0x5e: {  	_ =	shalt  }
0x5f: {  	_ =	shalt  }
0x60: {  	_ =	shalt  }
0x61: {  	_ =	shalt  }
0x62: {  	_ =	shalt  }
0x63: {  	_ =	shalt  }
0x64: {  	_ =	shalt  }
0x65: {  	_ =	shalt  }
0x66: {  	_ =	shalt  }
0x67: {  	_ =	shalt  }
0x68: {  	_ =	shalt  }
0x69: {  	_ =	shalt  }
0x6a: {  	_ =	shalt  }
0x6b: {  	_ =	shalt  }
0x6c: {  	_ =	shalt  }
0x6d: {  	_ =	shalt  }
0x6e: {  	_ =	shalt  }
0x6f: {  	_ =	shalt  }
0x70: {  	_ =	shalt  }
0x71: {  	_ =	shalt  }
0x72: {  	_ =	shalt  }
0x73: {  	_ =	shalt  }
0x74: {  	_ =	shalt  }
0x75: {  	_ =	shalt  }
0x76: {  	_ =	shalt  }
0x77: {  	_ =	shalt  }
0x78: {  	_ =	shalt  }
0x79: {  	_ =	shalt  }
0x7a: {  	_ =	shalt  }
0x7b: {  	_ =	shalt  }
0x7c: {  	_ =	shalt  }
0x7d: {  	_ =	shalt  }
0x7e: {  	_ =	shalt  }
0x7f: {  	_ =	shalt  }
0x80: {  	_ =	shalt  }
0x81: {  	_ =	shalt  }
0x82: {  	_ =	shalt  }
0x83: {  	_ =	shalt  }
0x84: {  	_ =	shalt  }
0x85: {  	_ =	shalt  }
0x86: {  	_ =	shalt  }
0x87: {  	_ =	shalt  }
.Lfunc_end0:
.L_simem_size_0:
called_computation.2_lowered:
.L_overlay_start_0:
0x88: {  	s2 =	sld [smem:$0x3FD9]  }
0x89: {  	s3 =	sld [smem:$0x3FFE];
	_ =	sdelay $0x1  }
0x8a: {  	s1 =	srdreg.scid  }
0x8b: {  	s0 =	sand.u32 $0x1, s1  }
0x8c: {  	s16 =	sshll.u32 s0, $0xA;
	s2 =	sadd.s32 s3, s2  }
0x8d: {  	s2 =	sadd.s32 s2, s16  }
0x8e: {  	[smem:$0x3FBC] =	sst s2  }
0x8f: {  	_ = 	snop  }
0x90: {  	(tm) =	ssettm $0x1  }
0x91: {  	s17 =	sld [smem:$0x3FFB];
	_ =	sdelay $0x3  }
0x92: {  	_ =	strace s17  }
0x93: {  	s2 =	sld [smem:$0x3FFC];
	_ =	sdelay $0x3  }
0x94: {  	_ =	strace s2  }
0x95: {  	s2 =	sld [smem:$0x3FFD];
	_ =	sdelay $0x3  }
0x96: {  	_ =	strace s2  }
0x97: {  	_ =	strace $0x8FFFFFFF  }
0x98: {  	s18 =	sld [smem:$0x3FDB];
	_ =	sdelay $0x1  }
0x99: {  	s19 =	simm.s32 $_scs_section_size  }
0x9a: {  	s4 =	simm.s32 $_size__tile_overlayer_lowered;
	s5 =	simm.s32 $_tile_overlayer_lowered  }
0x9b: {  	s22 =	simm.s32 $0x1BFF;
	s21 =	sshll.u32 s5, $0x1;
	s2 =	sadd.s32 s19, s18  }
0x9c: {  	s6 =	simm.s32 $0x0;
	s20 =	sshll.u32 s4, $0x1;
	s4 =	sadd.s32 s21, s2  }
0x9d: {  	[timem:s6], [sflag:s22] =	dma.local [hbm:s4], s20  }
0x9e: {  	_ =	swait.ge [sflag:s22], s20  }
0x9f: {  	s3 =	ssub.s32 $0x0, s20;
	[sflag:s22] =	ssyncset.done $0x0  }
0xa0: {  	[sflag:s22] =	ssyncadd.s32 s3;
	_ =	sdelay $0x1  }
0xa1: {  	s23 =	simm.s32 $0x1B8B  }
0xa2: {  	_ =	swait.ge [sflag:s23], $0x1  }
0xa3: {  	[sflag:s23] =	ssyncset.done $0x0  }
0xa4: {  	s25 =	simm.s32 $0x1B8E;
	s24 =	sld [smem:$0x3FFE];
	[sflag:s23] =	ssyncadd.s32 $0xFFFFFFFF  }
0xa5: {  	s26 =	simm.s32 $execute0_lowered;
	[smem:$0x3FD2] =	sst s25  }
0xa6: {  	s4 =	sshll.u32 s26, $0x1;
	_ =	strace $0x8000004C;
	[dreg:$0x1] =	wrdreg $0xFFFFFFFF  }
0xa7: {  	s28 =	simm.s32 $_size_execute0_lowered;
	s2 =	sadd.s32 s2, s4;
	[dreg:$0x0] =	wrdreg $0x0  }
0xa8: {  	s4 =	sshll.u32 s28, $0x1;
	[dreg:$0x2] =	wrdreg s2  }
0xa9: {  	[dreg:$0x3] =	wrdreg s4  }
0xaa: {  	[dreg:$0x4] =	wrdreg $0xC0  }
0xab: {  	_ =	task [dreg:s6], $0x5FFFF  }
0xac: {  	[dreg:$0x1] =	wrdreg $0xFFFFFFFF  }
0xad: {  	[dreg:$0x0] =	wrdreg $0x60  }
0xae: {  	[dreg:$0x2] =	wrdreg s24  }
0xaf: {  	[dreg:$0x3] =	wrdreg $0x9  }
0xb0: {  	_ =	task.clear_ibuf [dreg:s6], $0x4FFFF;
	_ =	strace $0x9000004C  }
0xb1: {  	s29 =	simm.s32 $0x9;
	_ =	strace $0x8000004E  }
0xb2: {  	_ =	swait.ge [sflag:s29], $0x1  }
0xb3: {  	[sflag:s29] =	ssyncadd.s32 $0xFFFFFFFF  }
0xb4: {  	_ =	strace $0x9000004E  }
0xb5: {  	_ =	sfence  }
0xb6: {  	s30 =	sld [smem:$0x0];
	_ =	sdelay $0x2  }
0xb7: {  	s31 =	sshll.u32 s1, $0xD;
	s1 =	sshrl.u32 s1, $0x2  }
0xb8: {  	s3 =	sand.u32 $0x4000, s31;
	s1 =	sadd.s32 s1, s30  }
0xb9: {  	s0 =	sor.u32 s3, s0;
	s1 =	sshll.u32 s1, $0x11  }
0xba: {  	s0 =	sor.u32 s1, s0  }
0xbb: {  	s0 =	sadd.s32 $0x8F2B, s0  }
0xbc: {  	[sflag:s0] =	ssyncadd.remote.s32 $0x1  }
0xbd: {  	_ =	sfence.sel $0xFFFF  }
0xbe: {  	[dreg:$0x0] =	wrdreg $0xFFFFFFFF;
	(pc) =	sbr.abs _section_cstart, $3  }
0xbf: {  	[dreg:$0x1] =	wrdreg $0xFFFFFFFF  }
0xc0: {  	_ =	task.clear_ibuf [dreg:s6], $0x2FFFF;
	_ =	strace $0x9FFFFFFF  }
0xc1: {  	(tm) =	ssettm $0x7FFFFFFF  }
tec
execute0_lowered:
.L_overlay_start_1:
0x0: {  	(tag) =	ssettag $0x1  }
0x1: {  	s1 =	srdreg.scid;
	s0 =	stileid.u32  }
0x2: {  	s24 =	sand.u32 $0x1, s1;
	s30 =	sshll.u32 s0, $0x1  }
0x3: {  	s14 =	sor.u32 s24, s30  }
0x4: {  	s10 =	rddreg [dreg:$0x0];
	s3 =	smul.u32 $0x50, s14  }
0x5: {  	s2 =	simm.s32 $0x0;
	s1 =	rddreg [dreg:$0x1]  }
0x6: {  	[smem:$0x7FF] =	sst s2;
	s3 =	sadd.s32 s3, s10  }
0x7: {  	_ =	strace $0x8000004D;
	s4 =	sadd.s32 $0x65C00, s3;
	s3 =	simm.s32 $0x3  }
0x8: {  	[tilespmem:s2], [sflag:$0x3] =	stream.linear.gather [hbm4b:s4+s2], $0x280, $0x38;
	[tilespmem:$0x5280] =	vst v63  }
0x9: {  	_ =	swait.ge [sflag:s3], $0x280  }
0xa: {  	s6 =	simm.s32 $0x50;
	[sflag:s3] =	ssyncset.done $0x0  }
0xb: {  	s7 =	simm.s32 $0x280;
	s5 =	sadd.s32 $0x1200, s10;
	[sflag:s3] =	ssyncadd.s32 $0xFFFFFD80  }
0xc: {  	[tilespmem:s7], [sflag:$0x1] =	stream.indirect.gather [hbm4b:s5+s6], $0x80, s2, s6, $0xb8;
	[tilespmem:$0x5280] =	vst v63  }
0xd: {  	s8 =	simm.s32 $0x2A80;
	s9 =	simm.s32 $0x1  }
0xe: {  	[tilespmem:s8], [sflag:$0x2] =	stream.indirect.gather [hbm4b:s5+s6], $0x80, s6, s6, $0xb8;
	[tilespmem:$0x5280] =	vst v63  }
0xf: {  	s11 =	smul.u32 $0x2800, s14;
	_ =	swait.ge [sflag:s9], $0x2800  }
0x10: {  	s15 =	sadd.s32 $0x66600, s10;
	[sflag:s9] =	ssyncset.done $0x0  }
0x11: {  	s10 =	sadd.s32 s15, s11;
	[sflag:s9] =	ssyncadd.s32 $0xFFFFD800  }
0x12: {  	[hbm4b:s10+s2] =	stream.linear.scatter [tilespmem:s7], [sflag:$0x3], $0x2800, $0x38;
	[tilespmem:$0x5280] =	vst v63  }
0x13: {  	_ =	swait.ge [sflag:s3], $0x2800  }
0x14: {  	[sflag:s3] =	ssyncset.done $0x0  }
0x15: {  	s12 =	simm.s32 $0x2;
	s11 =	simm.s32 $0xA0;
	[sflag:s3] =	ssyncadd.s32 $0xFFFFD800  }
0x16: {  	[tilespmem:s7], [sflag:$0x1] =	stream.indirect.gather [hbm4b:s5+s6], $0x80, s11, s6, $0xb8;
	[tilespmem:$0x5280] =	vst v63  }
0x17: {  	_ =	swait.ge [sflag:s12], $0x2800  }
0x18: {  	[sflag:s12] =	ssyncset.done $0x0  }
0x19: {  	s13 =	sadd.s32 $0x500, s10;
	[sflag:s12] =	ssyncadd.s32 $0xFFFFD800  }
0x1a: {  	[hbm4b:s13+s2] =	stream.linear.scatter [tilespmem:s8], [sflag:$0x3], $0x2800, $0x38;
	[tilespmem:$0x5280] =	vst v63  }
0x1b: {  	_ =	swait.ge [sflag:s3], $0x2800  }
0x1c: {  	[sflag:s3] =	ssyncset.done $0x0  }
0x1d: {  	s16 =	smul.u32 $0x14000, s14;
	s14 =	simm.s32 $0xF0;
	[sflag:s3] =	ssyncadd.s32 $0xFFFFD800  }
0x1e: {  	[tilespmem:s8], [sflag:$0x2] =	stream.indirect.gather [hbm4b:s5+s6], $0x80, s14, s6, $0xb8;
	[tilespmem:$0x5280] =	vst v63  }
0x1f: {  	s16 =	sshrl.u32 s16, $0x3;
	_ =	swait.ge [sflag:s9], $0x2800  }
0x20: {  	s25 =	sadd.s32 s15, s16;
	[sflag:s9] =	ssyncset.done $0x0  }
0x21: {  	s15 =	sadd.s32 $0xA00, s25;
	[sflag:s9] =	ssyncadd.s32 $0xFFFFD800  }
0x22: {  	[hbm4b:s15+s2] =	stream.linear.scatter [tilespmem:s7], [sflag:$0x3], $0x2800, $0x38;
	[tilespmem:$0x5280] =	vst v63  }
0x23: {  	_ =	swait.ge [sflag:s3], $0x2800  }
0x24: {  	[sflag:s3] =	ssyncset.done $0x0  }
0x25: {  	s16 =	simm.s32 $0x140;
	[sflag:s3] =	ssyncadd.s32 $0xFFFFD800  }
0x26: {  	[tilespmem:s7], [sflag:$0x1] =	stream.indirect.gather [hbm4b:s5+s6], $0x80, s16, s6, $0xb8;
	[tilespmem:$0x5280] =	vst v63  }
0x27: {  	_ =	swait.ge [sflag:s12], $0x2800  }
0x28: {  	[sflag:s12] =	ssyncset.done $0x0  }
0x29: {  	s17 =	sadd.s32 $0xF00, s25;
	[sflag:s12] =	ssyncadd.s32 $0xFFFFD800  }
0x2a: {  	[hbm4b:s17+s2] =	stream.linear.scatter [tilespmem:s8], [sflag:$0x3], $0x2800, $0x38;
	[tilespmem:$0x5280] =	vst v63  }
0x2b: {  	_ =	swait.ge [sflag:s3], $0x2800  }
0x2c: {  	[sflag:s3] =	ssyncset.done $0x0  }
0x2d: {  	s18 =	simm.s32 $0x190;
	[sflag:s3] =	ssyncadd.s32 $0xFFFFD800  }
0x2e: {  	[tilespmem:s8], [sflag:$0x2] =	stream.indirect.gather [hbm4b:s5+s6], $0x80, s18, s6, $0xb8;
	[tilespmem:$0x5280] =	vst v63  }
0x2f: {  	_ =	swait.ge [sflag:s9], $0x2800  }
0x30: {  	[sflag:s9] =	ssyncset.done $0x0  }
0x31: {  	s19 =	sadd.s32 $0x1400, s25;
	[sflag:s9] =	ssyncadd.s32 $0xFFFFD800  }
0x32: {  	[hbm4b:s19+s2] =	stream.linear.scatter [tilespmem:s7], [sflag:$0x3], $0x2800, $0x38;
	[tilespmem:$0x5280] =	vst v63  }
0x33: {  	_ =	swait.ge [sflag:s3], $0x2800  }
0x34: {  	[sflag:s3] =	ssyncset.done $0x0  }
0x35: {  	s20 =	simm.s32 $0x1E0;
	[sflag:s3] =	ssyncadd.s32 $0xFFFFD800  }
0x36: {  	[tilespmem:s7], [sflag:$0x1] =	stream.indirect.gather [hbm4b:s5+s6], $0x80, s20, s6, $0xb8;
	[tilespmem:$0x5280] =	vst v63  }
0x37: {  	_ =	swait.ge [sflag:s12], $0x2800  }
0x38: {  	[sflag:s12] =	ssyncset.done $0x0  }
0x39: {  	s21 =	sadd.s32 $0x1900, s25;
	[sflag:s12] =	ssyncadd.s32 $0xFFFFD800  }
0x3a: {  	[hbm4b:s21+s2] =	stream.linear.scatter [tilespmem:s8], [sflag:$0x3], $0x2800, $0x38;
	[tilespmem:$0x5280] =	vst v63  }
0x3b: {  	_ =	swait.ge [sflag:s3], $0x2800  }
0x3c: {  	[sflag:s3] =	ssyncset.done $0x0  }
0x3d: {  	s22 =	simm.s32 $0x230;
	[sflag:s3] =	ssyncadd.s32 $0xFFFFD800  }
0x3e: {  	[tilespmem:s8], [sflag:$0x2] =	stream.indirect.gather [hbm4b:s5+s6], $0x80, s22, s6, $0xb8;
	[tilespmem:$0x5280] =	vst v63  }
0x3f: {  	_ =	swait.ge [sflag:s9], $0x2800  }
0x40: {  	[sflag:s9] =	ssyncset.done $0x0  }
0x41: {  	s24 =	ssub.s32 $0x2, s24;
	s23 =	sadd.s32 $0x1E00, s25;
	[sflag:s9] =	ssyncadd.s32 $0xFFFFD800  }
0x42: {  	[hbm4b:s23+s2] =	stream.linear.scatter [tilespmem:s7], [sflag:$0x3], $0x2800, $0x38;
	[tilespmem:$0x5280] =	vst v63  }
0x43: {  	s26 =	sshrl.u32 s24, $0x1;
	_ =	swait.ge [sflag:s3], $0x2800  }
0x44: {  	s26 =	ssub.s32 s24, s26;
	[sflag:s3] =	ssyncset.done $0x0  }
0x45: {  	s31 =	smax.u32 s26, $0x1;
	[sflag:s3] =	ssyncadd.s32 $0xFFFFD800  }
0x46: {  	p0 =	sne.s32 s31, $0x1;
	_ =	swait.ge [sflag:s12], $0x2800  }
.Ltmp0:
0x47: {  	[sflag:s12] =	ssyncset.done $0x0;
	(pc) =	sbr.rel @!p0 .LBB2_2-.Ltmp0, $4  }
0x48: {  	s24 =	sadd.s32 $0x2300, s25;
	[sflag:s12] =	ssyncadd.s32 $0xFFFFD800  }
0x49: {  	[hbm4b:s24+s2] =	stream.linear.scatter [tilespmem:s8], [sflag:$0x3], $0x2800, $0x38;
	[tilespmem:$0x5280] =	vst v63  }
0x4a: {  	_ =	swait.ge [sflag:s3], $0x2800  }
0x4b: {  	s25 =	sadd.s32 $0xFFFFFFFF, s31;
	[sflag:s3] =	ssyncset.done $0x0  }
.LBB2_1:
0x4c: {  	p0 =	sne.s32 s25, $0x1;
	s25 =	sadd.s32 $0xFFFFFFFF, s25;
	[sflag:s3] =	ssyncadd.s32 $0xFFFFD800  }
0x4d: {  	[tilespmem:s2], [sflag:$0x3] =	stream.linear.gather [hbm4b:s4+s2], $0x280, $0x38;
	[tilespmem:$0x5280] =	vst v63  }
0x4e: {  	_ =	swait.ge [sflag:s3], $0x280  }
0x4f: {  	[sflag:s3] =	ssyncset.done $0x0  }
0x50: {  	[sflag:s3] =	ssyncadd.s32 $0xFFFFFD80  }
0x51: {  	[tilespmem:s7], [sflag:$0x1] =	stream.indirect.gather [hbm4b:s5+s6], $0x80, s2, s6, $0xb8;
	[tilespmem:$0x5280] =	vst v63  }
0x52: {  	_ = 	snop  }
0x53: {  	[tilespmem:s8], [sflag:$0x2] =	stream.indirect.gather [hbm4b:s5+s6], $0x80, s6, s6, $0xb8;
	[tilespmem:$0x5280] =	vst v63  }
0x54: {  	_ =	swait.ge [sflag:s9], $0x2800  }
0x55: {  	[sflag:s9] =	ssyncset.done $0x0  }
0x56: {  	[sflag:s9] =	ssyncadd.s32 $0xFFFFD800  }
0x57: {  	[hbm4b:s10+s2] =	stream.linear.scatter [tilespmem:s7], [sflag:$0x3], $0x2800, $0x38;
	[tilespmem:$0x5280] =	vst v63  }
0x58: {  	_ =	swait.ge [sflag:s3], $0x2800  }
0x59: {  	[sflag:s3] =	ssyncset.done $0x0  }
0x5a: {  	[sflag:s3] =	ssyncadd.s32 $0xFFFFD800  }
0x5b: {  	[tilespmem:s7], [sflag:$0x1] =	stream.indirect.gather [hbm4b:s5+s6], $0x80, s11, s6, $0xb8;
	[tilespmem:$0x5280] =	vst v63  }
0x5c: {  	_ =	swait.ge [sflag:s12], $0x2800  }
0x5d: {  	[sflag:s12] =	ssyncset.done $0x0  }
0x5e: {  	[sflag:s12] =	ssyncadd.s32 $0xFFFFD800  }
0x5f: {  	[hbm4b:s13+s2] =	stream.linear.scatter [tilespmem:s8], [sflag:$0x3], $0x2800, $0x38;
	[tilespmem:$0x5280] =	vst v63  }
0x60: {  	_ =	swait.ge [sflag:s3], $0x2800  }
0x61: {  	[sflag:s3] =	ssyncset.done $0x0  }
0x62: {  	[sflag:s3] =	ssyncadd.s32 $0xFFFFD800  }
0x63: {  	[tilespmem:s8], [sflag:$0x2] =	stream.indirect.gather [hbm4b:s5+s6], $0x80, s14, s6, $0xb8;
	[tilespmem:$0x5280] =	vst v63  }
0x64: {  	_ =	swait.ge [sflag:s9], $0x2800  }
0x65: {  	[sflag:s9] =	ssyncset.done $0x0  }
0x66: {  	[sflag:s9] =	ssyncadd.s32 $0xFFFFD800  }
0x67: {  	[hbm4b:s15+s2] =	stream.linear.scatter [tilespmem:s7], [sflag:$0x3], $0x2800, $0x38;
	[tilespmem:$0x5280] =	vst v63  }
0x68: {  	_ =	swait.ge [sflag:s3], $0x2800  }
0x69: {  	[sflag:s3] =	ssyncset.done $0x0  }
0x6a: {  	[sflag:s3] =	ssyncadd.s32 $0xFFFFD800  }
0x6b: {  	[tilespmem:s7], [sflag:$0x1] =	stream.indirect.gather [hbm4b:s5+s6], $0x80, s16, s6, $0xb8;
	[tilespmem:$0x5280] =	vst v63  }
0x6c: {  	_ =	swait.ge [sflag:s12], $0x2800  }
0x6d: {  	[sflag:s12] =	ssyncset.done $0x0  }
0x6e: {  	[sflag:s12] =	ssyncadd.s32 $0xFFFFD800  }
0x6f: {  	[hbm4b:s17+s2] =	stream.linear.scatter [tilespmem:s8], [sflag:$0x3], $0x2800, $0x38;
	[tilespmem:$0x5280] =	vst v63  }
0x70: {  	_ =	swait.ge [sflag:s3], $0x2800  }
0x71: {  	[sflag:s3] =	ssyncset.done $0x0  }
0x72: {  	[sflag:s3] =	ssyncadd.s32 $0xFFFFD800  }
0x73: {  	[tilespmem:s8], [sflag:$0x2] =	stream.indirect.gather [hbm4b:s5+s6], $0x80, s18, s6, $0xb8;
	[tilespmem:$0x5280] =	vst v63  }
0x74: {  	_ =	swait.ge [sflag:s9], $0x2800  }
0x75: {  	[sflag:s9] =	ssyncset.done $0x0  }
0x76: {  	[sflag:s9] =	ssyncadd.s32 $0xFFFFD800  }
0x77: {  	[hbm4b:s19+s2] =	stream.linear.scatter [tilespmem:s7], [sflag:$0x3], $0x2800, $0x38;
	[tilespmem:$0x5280] =	vst v63  }
0x78: {  	_ =	swait.ge [sflag:s3], $0x2800  }
0x79: {  	[sflag:s3] =	ssyncset.done $0x0  }
0x7a: {  	[sflag:s3] =	ssyncadd.s32 $0xFFFFD800  }
0x7b: {  	[tilespmem:s7], [sflag:$0x1] =	stream.indirect.gather [hbm4b:s5+s6], $0x80, s20, s6, $0xb8;
	[tilespmem:$0x5280] =	vst v63  }
0x7c: {  	_ =	swait.ge [sflag:s12], $0x2800  }
0x7d: {  	[sflag:s12] =	ssyncset.done $0x0  }
0x7e: {  	[sflag:s12] =	ssyncadd.s32 $0xFFFFD800  }
0x7f: {  	[hbm4b:s21+s2] =	stream.linear.scatter [tilespmem:s8], [sflag:$0x3], $0x2800, $0x38;
	[tilespmem:$0x5280] =	vst v63  }
0x80: {  	_ =	swait.ge [sflag:s3], $0x2800  }
0x81: {  	[sflag:s3] =	ssyncset.done $0x0  }
0x82: {  	[sflag:s3] =	ssyncadd.s32 $0xFFFFD800  }
0x83: {  	[tilespmem:s8], [sflag:$0x2] =	stream.indirect.gather [hbm4b:s5+s6], $0x80, s22, s6, $0xb8;
	[tilespmem:$0x5280] =	vst v63  }
0x84: {  	_ =	swait.ge [sflag:s9], $0x2800  }
0x85: {  	[sflag:s9] =	ssyncset.done $0x0  }
0x86: {  	[sflag:s9] =	ssyncadd.s32 $0xFFFFD800  }
0x87: {  	[hbm4b:s23+s2] =	stream.linear.scatter [tilespmem:s7], [sflag:$0x3], $0x2800, $0x38;
	[tilespmem:$0x5280] =	vst v63  }
0x88: {  	_ =	swait.ge [sflag:s3], $0x2800  }
0x89: {  	[sflag:s3] =	ssyncset.done $0x0  }
0x8a: {  	[sflag:s3] =	ssyncadd.s32 $0xFFFFD800  }
0x8b: {  	_ =	swait.ge [sflag:s12], $0x2800  }
.Ltmp1:
0x8c: {  	[sflag:s12] =	ssyncset.done $0x0;
	(pc) =	sbr.rel @p0 .LBB2_1-.Ltmp1, $4  }
0x8d: {  	[sflag:s12] =	ssyncadd.s32 $0xFFFFD800  }
0x8e: {  	[hbm4b:s24+s2] =	stream.linear.scatter [tilespmem:s8], [sflag:$0x3], $0x2800, $0x38;
	[tilespmem:$0x5280] =	vst v63  }
0x8f: {  	_ =	swait.ge [sflag:s3], $0x2800  }
0x90: {  	[sflag:s3] =	ssyncset.done $0x0  }
.LBB2_2:
0x91: {  	[sflag:s3] =	ssyncadd.s32 $0xFFFFD800  }
0x92: {  	_ =	sfence.sel $0x180000  }
0x93: {  	[bflag:$0x0] =	sbarrier.arrive $0xFFFF  }
0x94: {  	p0 =	sne.s32 s0, $0x0;
	_ =	strace $0x9000004D  }
0x95: {  	s0 =	sadd.s32 @!p0 $0x100000, s1;
	[bflag:$0x2] =	sbarrier.arrive $0xFFFF  }
0x96: {  	[sflag:s0] =	ssyncadd.tile.s32 @!p0 $0x1;
	_ =	shalt  }
.Lfunc_end2:
_tile_overlayer_lowered:
.L_overlay_start_2:
0x97: {  	(tag) =	ssettag $0x2  }
0x98: {  	s0 =	rddreg [dreg:$0x0];
	s2 =	stileid.u32  }
0x99: {  	s1 =	rddreg [dreg:$0x1];
	p0 =	sne.s32 s2, $0x0  }
0x9a: {  	s3 =	rddreg [dreg:$0x2];
	[bflag:$0x3] =	sbarrier.arrive $0xFFFF;
	s2 =	simm.s32 @!p0 $0x1C03  }
0x9b: {  	[timem:s3], [sflag:s2] =	dma.local @!p0 [hbm:s0], s1  }
0x9c: {  	s0 =	simm.s32 @!p0 $0x3  }
0x9d: {  	_ =	swait.ge @!p0 [sflag:s0], s1  }
0x9e: {  	s1 =	ssub.s32 @!p0 $0x0, s1;
	[sflag:s0] =	ssyncset.done @!p0 $0x0  }
0x9f: {  	[sflag:s0] =	ssyncadd.s32 @!p0 s1  }
0xa0: {  	[bflag:$0x3] =	sbarrier.arrive $0xFFFF  }
0xa1: {  	_ =	shalt  }

// kernel: kernel.8.cloned.1.call-start
scs
__scs_entry_jumppad:
0x0: {  	(pc) =	sbr.rel $0x88, $3  }
0x1: {  	(tag) =	ssettag $0x0;
	lr =	simm.s32 $0x1  }
0x2: {  	[smem:$0x3F95] =	sst lr;
	_ =	strace $0xD0000000  }
0x3: {  	_ = 	snop  }
0x4: {  	_ = 	snop  }
0x5: {  	_ = 	snop  }
0x6: {  	_ = 	snop  }
0x7: {  	_ = 	snop  }
__scs_overlays_trampoline_lowered:
0x8: {  	[smem:$0x3FA4] =	sst s0  }
0x9: {  	[smem:$0x3FA5] =	sst s1  }
0xa: {  	[smem:$0x3FA6] =	sst s2  }
0xb: {  	[smem:$0x3FA7] =	sst s3  }
0xc: {  	[smem:$0x3FA8] =	sst s4  }
0xd: {  	[smem:$0x3FA9] =	sst s5  }
0xe: {  	[smem:$0x3FAA] =	sst s6  }
0xf: {  	[smem:$0x3FAB] =	sst s7  }
0x10: {  	[smem:$0x3FAC] =	sst s8  }
0x11: {  	[smem:$0x3FAD] =	sst s9;
	s0 =	simm.s32 @!p0 $0x0  }
0x12: {  	s1 =	sld [smem:$0x3F93];
	s0 =	simm.s32 @p0 $0x1  }
0x13: {  	[smem:$0x3FAE] =	sst s0;
	s0 =	simm.s32 @!p1 $0x0  }
0x14: {  	s2 =	sld [smem:$0x3F92];
	s0 =	simm.s32 @p1 $0x1  }
0x15: {  	[smem:$0x3FAF] =	sst s0;
	s0 =	simm.s32 @!p2 $0x0  }
0x16: {  	s3 =	sld [smem:$0x3FDB];
	s0 =	simm.s32 @p2 $0x1  }
0x17: {  	s4 =	simm.s32 $0x1BF5;
	[smem:$0x3FB1] =	sst s0  }
0x18: {  	s0 =	sld [smem:$0x3F94];
	_ =	swait.ge [sflag:s4], $0x0  }
0x19: {  	s7 =	sld [smem:$0x3F95]  }
0x1a: {  	s8 =	sadd.s32 $0xFFFFE003, lr  }
0x1b: {  	s9 =	sadd.s32 $0xFFFFFEF7, lr;
	s5 =	simm.s32 $0xFFFFFFFF;
	p2 =	slt.u32 s8, $0xFFFFF086  }
0x1c: {  	p1 =	slt.u32 s9, $0xF7A;
	s5 =	simm.s32 @!p2 $0x0  }
0x1d: {  	s5 =	simm.s32 @p1 $0x1;
	p0 =	seq.s32 s7, s2  }
0x1e: {  	s7 =	smul.u32 @!p0 $0xF7A, s2;
	p2 =	seq.s32 @!p0 s5, $0x0  }
0x1f: {  	s9 =	smul.u32 $0xF7A, s1;
	s8 =	simm.s32 @!p0 $0x1BF5;
	p2 =	por !p2, p0  }
0x20: {  	[sflag:s8] =	ssyncset.s32 @!p0 $0xFFFFF086;
	s6 =	sadd.s32 @!p0 s3, s7;
	s7 =	simm.s32 @!p0 $0x108  }
0x21: {  	s3 =	sadd.s32 s3, s9;
	s6 =	sadd.s32 @!p0 $0x88, s6;
	s7 =	simm.s32 @p2 $0x1082  }
0x22: {  	[simem:s7], [sflag:s8] =	dma.local @!p0 [hbm:s6], $0xF7A  }
0x23: {  	s9 =	sor.u32 $0xD0000000, s2;
	s6 =	simm.s32 $0x108;
	_ =	swait.ge @!p0 [sflag:s8], $0x0  }
0x24: {  	s3 =	sadd.s32 $0x88, s3;
	s6 =	simm.s32 @!p1 $0x1082;
	[sflag:s4] =	ssyncset.s32 $0xFFFFF086  }
0x25: {  	[simem:s6], [sflag:s4] =	dma.local [hbm:s3], $0xF7A  }
0x26: {  	[smem:$0x3F95] =	sst s1;
	(tag) =	ssettag s2;
	_ =	strace s9  }
0x27: {  	s1 =	sld [smem:$0x3FA5]  }
0x28: {  	s2 =	sld [smem:$0x3FA6]  }
0x29: {  	s4 =	sld [smem:$0x3FA8]  }
0x2a: {  	p0 =	seq.s32 s5, $0x0;
	s5 =	sld [smem:$0x3FA9]  }
0x2b: {  	s6 =	sld [smem:$0x3FAA]  }
0x2c: {  	s7 =	sld [smem:$0x3FAB]  }
0x2d: {  	s3 =	simm.s32 $0x108;
	s8 =	sld [smem:$0x3FAC]  }
0x2e: {  	s3 =	simm.s32 @!p0 $0x1082;
	s9 =	sld [smem:$0x3FAD]  }
0x2f: {  	lr =	sadd.s32 s0, s3;
	s0 =	sld [smem:$0x3FA4]  }
0x30: {  	s3 =	sld [smem:$0x3FA7]  }
0x31: {  	[smem:$0x3FB0] =	sst s10  }
0x32: {  	s10 =	sld [smem:$0x3FAE];
	_ =	sdelay $0x3  }
0x33: {  	p0 =	seq.s32 s10, $0x1;
	s10 =	sld [smem:$0x3FB0];
	_ =	sdelay $0x3  }
0x34: {  	[smem:$0x3FB0] =	sst s10  }
0x35: {  	s10 =	sld [smem:$0x3FAF];
	_ =	sdelay $0x3  }
0x36: {  	p1 =	seq.s32 s10, $0x1;
	s10 =	sld [smem:$0x3FB0];
	_ =	sdelay $0x3  }
0x37: {  	[smem:$0x3FB0] =	sst s10  }
0x38: {  	s10 =	sld [smem:$0x3FB1]  }
0x39: {  	_ = 	snop;
	(pc) =	sbr.ind lr, $3  }
0x3a: {  	_ = 	snop  }
0x3b: {  	_ = 	snop  }
0x3c: {  	p2 =	seq.s32 s10, $0x1;
	s10 =	sld [smem:$0x3FB0]  }
0x3d: {  	_ =	shalt  }
0x3e: {  	_ =	shalt  }
0x3f: {  	_ =	shalt  }
0x40: {  	_ =	shalt  }
0x41: {  	_ =	shalt  }
0x42: {  	_ =	shalt  }
0x43: {  	_ =	shalt  }
0x44: {  	_ =	shalt  }
0x45: {  	_ =	shalt  }
0x46: {  	_ =	shalt  }
0x47: {  	_ =	shalt  }
0x48: {  	_ =	shalt  }
0x49: {  	_ =	shalt  }
0x4a: {  	_ =	shalt  }
0x4b: {  	_ =	shalt  }
0x4c: {  	_ =	shalt  }
0x4d: {  	_ =	shalt  }
0x4e: {  	_ =	shalt  }
0x4f: {  	_ =	shalt  }
0x50: {  	_ =	shalt  }
0x51: {  	_ =	shalt  }
0x52: {  	_ =	shalt  }
0x53: {  	_ =	shalt  }
0x54: {  	_ =	shalt  }
0x55: {  	_ =	shalt  }
0x56: {  	_ =	shalt  }
0x57: {  	_ =	shalt  }
0x58: {  	_ =	shalt  }
0x59: {  	_ =	shalt  }
0x5a: {  	_ =	shalt  }
0x5b: {  	_ =	shalt  }
0x5c: {  	_ =	shalt  }
0x5d: {  	_ =	shalt  }
0x5e: {  	_ =	shalt  }
0x5f: {  	_ =	shalt  }
0x60: {  	_ =	shalt  }
0x61: {  	_ =	shalt  }
0x62: {  	_ =	shalt  }
0x63: {  	_ =	shalt  }
0x64: {  	_ =	shalt  }
0x65: {  	_ =	shalt  }
0x66: {  	_ =	shalt  }
0x67: {  	_ =	shalt  }
0x68: {  	_ =	shalt  }
0x69: {  	_ =	shalt  }
0x6a: {  	_ =	shalt  }
0x6b: {  	_ =	shalt  }
0x6c: {  	_ =	shalt  }
0x6d: {  	_ =	shalt  }
0x6e: {  	_ =	shalt  }
0x6f: {  	_ =	shalt  }
0x70: {  	_ =	shalt  }
0x71: {  	_ =	shalt  }
0x72: {  	_ =	shalt  }
0x73: {  	_ =	shalt  }
0x74: {  	_ =	shalt  }
0x75: {  	_ =	shalt  }
0x76: {  	_ =	shalt  }
0x77: {  	_ =	shalt  }
0x78: {  	_ =	shalt  }
0x79: {  	_ =	shalt  }
0x7a: {  	_ =	shalt  }
0x7b: {  	_ =	shalt  }
0x7c: {  	_ =	shalt  }
0x7d: {  	_ =	shalt  }
0x7e: {  	_ =	shalt  }
0x7f: {  	_ =	shalt  }
0x80: {  	_ =	shalt  }
0x81: {  	_ =	shalt  }
0x82: {  	_ =	shalt  }
0x83: {  	_ =	shalt  }
0x84: {  	_ =	shalt  }
0x85: {  	_ =	shalt  }
0x86: {  	_ =	shalt  }
0x87: {  	_ =	shalt  }
.Lfunc_end0:
.L_simem_size_0:
called_computation_lowered:
.L_overlay_start_0:
0x88: {  	s2 =	sld [smem:$0x3FD9]  }
0x89: {  	s3 =	sld [smem:$0x3FFE];
	_ =	sdelay $0x1  }
0x8a: {  	s1 =	srdreg.scid  }
0x8b: {  	s0 =	sand.u32 $0x1, s1  }
0x8c: {  	s14 =	sshll.u32 s0, $0xA;
	s2 =	sadd.s32 s3, s2  }
0x8d: {  	s2 =	sadd.s32 s2, s14  }
0x8e: {  	[smem:$0x3FBC] =	sst s2  }
0x8f: {  	_ = 	snop  }
0x90: {  	s2 =	sld [smem:$0x3FD0];
	_ =	sdelay $0x2  }
0x91: {  	s4 =	simm.s32 $0xA;
	s5 =	simm.s32 $0x10;
	s15 =	sld [smem:$0x3FC9]  }
0x92: {  	[smem:s5], [sflag:s4] =	dma.local [hbm:s2], $0x1  }
0x93: {  	_ =	swait.eq [sflag:s4], $0x1  }
0x94: {  	[sflag:s4] =	ssyncset.done $0x0  }
0x95: {  	[sflag:s4] =	ssyncadd.s32 $0xFFFFFFFF  }
0x96: {  	s16 =	sld [smem:$0x10];
	(tm) =	ssettm $0x1  }
0x97: {  	s17 =	sld [smem:$0x3FFB];
	_ =	sdelay $0x3  }
0x98: {  	_ =	strace s17  }
0x99: {  	s4 =	sld [smem:$0x3FFC];
	_ =	sdelay $0x3  }
0x9a: {  	_ =	strace s4  }
0x9b: {  	s4 =	sld [smem:$0x3FFD];
	_ =	sdelay $0x3  }
0x9c: {  	_ =	strace s4  }
0x9d: {  	_ =	strace $0x8FFFFFFF  }
0x9e: {  	s18 =	sld [smem:$0x3FDB];
	_ =	sdelay $0x1  }
0x9f: {  	s19 =	simm.s32 $_scs_section_size  }
0xa0: {  	s6 =	simm.s32 $_size__tile_overlayer_lowered;
	s7 =	simm.s32 $_tile_overlayer_lowered  }
0xa1: {  	s22 =	simm.s32 $0x1BFF;
	s21 =	sshll.u32 s7, $0x1;
	s4 =	sadd.s32 s19, s18  }
0xa2: {  	s8 =	simm.s32 $0x0;
	s20 =	sshll.u32 s6, $0x1;
	s6 =	sadd.s32 s21, s4  }
0xa3: {  	[timem:s8], [sflag:s22] =	dma.local [hbm:s6], s20  }
0xa4: {  	_ =	swait.ge [sflag:s22], s20  }
0xa5: {  	s5 =	ssub.s32 $0x0, s20;
	[sflag:s22] =	ssyncset.done $0x0  }
0xa6: {  	[sflag:s22] =	ssyncadd.s32 s5;
	_ =	sdelay $0x1  }
0xa7: {  	s23 =	simm.s32 $0x1B8B  }
0xa8: {  	_ =	swait.ge [sflag:s23], $0x1  }
0xa9: {  	[sflag:s23] =	ssyncset.done $0x0  }
0xaa: {  	s25 =	simm.s32 $0x1B8E;
	s24 =	sld [smem:$0x3FFE];
	[sflag:s23] =	ssyncadd.s32 $0xFFFFFFFF  }
0xab: {  	s26 =	simm.s32 $execute0_lowered;
	[smem:$0x3FD2] =	sst s25  }
0xac: {  	s6 =	sshll.u32 s26, $0x1;
	_ =	strace $0x80000046;
	[dreg:$0x1] =	wrdreg $0xFFFFFFFF  }
0xad: {  	s28 =	simm.s32 $_size_execute0_lowered;
	s4 =	sadd.s32 s4, s6;
	[dreg:$0x0] =	wrdreg $0x0  }
0xae: {  	s6 =	sshll.u32 s28, $0x1;
	[dreg:$0x2] =	wrdreg s4  }
0xaf: {  	[dreg:$0x3] =	wrdreg s6  }
0xb0: {  	[dreg:$0x4] =	wrdreg $0xC0  }
0xb1: {  	_ =	task [dreg:s8], $0x5FFFF  }
0xb2: {  	[dreg:$0x1] =	wrdreg $0xFFFFFFFF  }
0xb3: {  	[dreg:$0x0] =	wrdreg $0x60  }
0xb4: {  	[dreg:$0x2] =	wrdreg s15  }
0xb5: {  	[dreg:$0x3] =	wrdreg s16  }
0xb6: {  	[dreg:$0x4] =	wrdreg s24  }
0xb7: {  	[dreg:$0x5] =	wrdreg $0x0  }
0xb8: {  	[dreg:$0x6] =	wrdreg $0x9  }
0xb9: {  	_ =	task.clear_ibuf [dreg:s8], $0x7FFFF;
	_ =	strace $0x90000046  }
0xba: {  	s29 =	simm.s32 $0x9;
	_ =	strace $0x80000048  }
0xbb: {  	_ =	swait.ge [sflag:s29], $0x1  }
0xbc: {  	[sflag:s29] =	ssyncadd.s32 $0xFFFFFFFF  }
0xbd: {  	_ =	strace $0x90000048  }
0xbe: {  	_ =	sfence  }
0xbf: {  	s30 =	sld [smem:$0x0];
	_ =	sdelay $0x2  }
0xc0: {  	s31 =	sshll.u32 s1, $0xD;
	s1 =	sshrl.u32 s1, $0x2  }
0xc1: {  	s3 =	sand.u32 $0x4000, s31;
	s1 =	sadd.s32 s1, s30  }
0xc2: {  	s0 =	sor.u32 s3, s0;
	s1 =	sshll.u32 s1, $0x11  }
0xc3: {  	s0 =	sor.u32 s1, s0  }
0xc4: {  	s0 =	sadd.s32 $0x8F2B, s0  }
0xc5: {  	[sflag:s0] =	ssyncadd.remote.s32 $0x1  }
0xc6: {  	_ =	sfence.sel $0xFFFF  }
0xc7: {  	[dreg:$0x0] =	wrdreg $0xFFFFFFFF;
	(pc) =	sbr.abs _section_cstart, $3  }
0xc8: {  	[dreg:$0x1] =	wrdreg $0xFFFFFFFF  }
0xc9: {  	_ =	task.clear_ibuf [dreg:s8], $0x2FFFF;
	_ =	strace $0x9FFFFFFF  }
0xca: {  	(tm) =	ssettm $0x7FFFFFFF  }
0xcb: {  	_ =	shalt  }
tec
execute0_lowered:
.L_overlay_start_1:
0x0: {  	(tag) =	ssettag $0x1  }
0x1: {  	s1 =	rddreg [dreg:$0x0]  }
0x2: {  	s2 =	rddreg [dreg:$0x1]  }
0x3: {  	s0 =	rddreg [dreg:$0x2]  }
0x4: {  	s3 =	srdreg.scid;
	s12 =	stileid.u32  }
0x5: {  	s4 =	rddreg [dreg:$0x3];
	s5 =	simm.s32 $0x0;
	s28 =	simm.s32 $0x3  }
0x6: {  	s29 =	simm.s32 $0x5;
	s30 =	simm.s32 $0x50;
	s7 =	smul.u32 $0x13880, s12  }
0x7: {  	s31 =	simm.s32 $0x13A00;
	s3 =	sand.u32 $0x1, s3;
	s10 =	smul.u32 $0x2710, s12  }
0x8: {  	[smem:$0x7FF] =	sst s5;
	s6 =	sadd.s32 $0x1200, s0;
	s18 =	smul.u32 $0x4E20, s12  }
0x9: {  	s11 =	sadd.s32 $0x14C00, s0;
	s16 =	sadd.s32 $0x17400, s0;
	s8 =	smul.u32 $0x138800, s3  }
0xa: {  	s20 =	sshll.u32 s12, $0x6;
	s9 =	smul.u32 $0x27100, s3;
	_ =	strace $0x80000047  }
0xb: {  	[dreg:$0x5] =	wrdreg s11;
	s17 =	smul.u32 $0x4E200, s3;
	s3 =	ssub.s32 $0x2, s3  }
0xc: {  	[dreg:$0x6] =	wrdreg s16;
	s19 =	sshrl.u32 s3, $0x1;
	s8 =	sadd.s32 s7, s8  }
0xd: {  	s9 =	sadd.s32 s10, s9;
	s3 =	ssub.s32 s3, s19;
	s10 =	sadd.s32 s18, s17  }
0xe: {  	s7 =	sadd.s32 s7, s4;
	s8 =	sshrl.u32 s8, $0x3;
	s9 =	sshrl.u32 s9, $0x3  }
0xf: {  	s11 =	sshrl.u32 s10, $0x3;
	s24 =	sadd.s32 $0xF0, s10;
	s3 =	smax.u32 s3, $0x1  }
0x10: {  	s26 =	sadd.s32 $0xA0, s10;
	s10 =	simm.s32 $0x2;
	s8 =	sadd.s32 s8, s0  }
0x11: {  	s0 =	sadd.s32 s9, s0;
	s9 =	sor.u32 $0x1C07, s20;
	s21 =	sadd.s32 s2, s11  }
0x12: {  	s22 =	sadd.s32 s6, s11;
	s11 =	sadd.s32 $0xA, s11;
	[dreg:$0xd] =	wrdreg s3  }
0x13: {  	s25 =	sshrl.u32 s24, $0x3;
	[dreg:$0xe] =	wrdreg s26;
	s20 =	sshrl.u32 s7, $0x3  }
0x14: {  	s24 =	simm.s32 $0x13960;
	s26 =	simm.s32 $0x139B0;
	[dreg:$0x7] =	wrdreg s21  }
0x15: {  	s3 =	simm.s32 $0x4;
	s7 =	simm.s32 $0x16200;
	[dreg:$0x8] =	wrdreg s22  }
0x16: {  	s23 =	sadd.s32 s2, s11;
	s11 =	sadd.s32 s6, s11;
	s8 =	sadd.s32 $0x21800, s8  }
.Ltmp0:
0x17: {  	s0 =	sadd.s32 $0x17A00, s0;
	[dreg:$0x9] =	wrdreg s23;
	(pc) =	sbr.rel .LBB2_1-.Ltmp0, $4  }
0x18: {  	s17 =	sadd.s32 s25, s6;
	s18 =	sadd.s32 s25, s2;
	[dreg:$0xa] =	wrdreg s11  }
0x19: {  	s21 =	simm.s32 $0x7;
	s22 =	simm.s32 $0x18A00;
	[dreg:$0xb] =	wrdreg s8  }
0x1a: {  	s25 =	simm.s32 $0x13910;
	[dreg:$0xc] =	wrdreg s0;
	s23 =	simm.s32 $0x138C0  }
0x1b: {  	v0 =	vimm.f32 $1.000000000e+00;
	s0 =	simm.s32 $0x6;
	s8 =	simm.s32 $0x1;
	s11 =	simm.s32 $0x0  }
.LBB2_4:
0x1c: {  	[bflag:$0x0] =	sbarrier.arrive $0xFFFF  }
0x1d: {  	s12 =	rddreg [dreg:$0xb]  }
0x1e: {  	[hbm:s12], [sflag:s9] =	dma.local [spmem:s20], $0x2710  }
0x1f: {  	_ =	swait.ge [sflag:s21], $0x2710  }
0x20: {  	[sflag:s21] =	ssyncset.done $0x0  }
0x21: {  	s16 =	rddreg [dreg:$0xc];
	[sflag:s21] =	ssyncadd.s32 $0xFFFFD8F0  }
0x22: {  	[hbm4b:s16+s5] =	stream.linear.scatter [tilespmem:s22], [sflag:$0x7], $0x2710, $0x38;
	[tilespmem:$0x1B118] =	vst v63  }
0x23: {  	_ =	swait.ge [sflag:s21], $0x2710  }
0x24: {  	s11 =	sadd.s32 $0x1, s11;
	s19 =	rddreg [dreg:$0xd]  }
0x25: {  	p0 =	sne.s32 s11, s19  }
.Ltmp1:
0x26: {  	_ = 	snop;
	(pc) =	sbr.rel @!p0 .LBB2_5-.Ltmp1, $3  }
0x27: {  	_ =	sdelay $0x1  }
0x28: {  	[sflag:s21] =	ssyncset.done $0x0  }
0x29: {  	[sflag:s21] =	ssyncadd.s32 $0xFFFFD8F0  }
.LBB2_1:
0x2a: {  	s12 =	rddreg [dreg:$0x5]  }
0x2b: {  	[spmem:s20], [sflag:s9] =	dma.local [hbm:s12], $0x2710  }
0x2c: {  	_ =	swait.ge [sflag:s21], $0x2710  }
0x2d: {  	[sflag:s21] =	ssyncset.done $0x0  }
0x2e: {  	s13 =	rddreg [dreg:$0x6];
	[sflag:s21] =	ssyncadd.s32 $0xFFFFD8F0  }
0x2f: {  	[tilespmem:s22], [sflag:$0x7] =	stream.linear.gather [hbm4b:s13+s5], $0x2710, $0x38;
	[tilespmem:$0x1B118] =	vst v63  }
0x30: {  	_ =	swait.ge [sflag:s21], $0x2710  }
0x31: {  	[sflag:s21] =	ssyncset.done $0x0  }
0x32: {  	[sflag:s21] =	ssyncadd.s32 $0xFFFFD8F0  }
0x33: {  	[bflag:$0x0] =	sbarrier.arrive $0xFFFF  }
0x34: {  	s14 =	rddreg [dreg:$0x7]  }
0x35: {  	[tilespmem:s23], [sflag:$0x3] =	stream.linear.gather [hbm4b:s14+s5], $0x50, $0x38;
	[tilespmem:$0x1B118] =	vst v63  }
0x36: {  	s15 =	rddreg [dreg:$0x8]  }
0x37: {  	[tilespmem:s24], [sflag:$0x5] =	stream.linear.gather [hbm4b:s15+s5], $0x50, $0x38;
	[tilespmem:$0x1B118] =	vst v63  }
0x38: {  	s16 =	rddreg [dreg:$0x9]  }
0x39: {  	[tilespmem:s25], [sflag:$0x4] =	stream.linear.gather [hbm4b:s16+s5], $0x50, $0x38;
	[tilespmem:$0x1B118] =	vst v63  }
0x3a: {  	s19 =	rddreg [dreg:$0xa]  }
0x3b: {  	[tilespmem:s26], [sflag:$0x6] =	stream.linear.gather [hbm4b:s19+s5], $0x50, $0x38;
	[tilespmem:$0x1B118] =	vst v63  }
0x3c: {  	_ =	swait.ge [sflag:s28], $0x50  }
0x3d: {  	[sflag:s28] =	ssyncset.done $0x0  }
0x3e: {  	[sflag:s28] =	ssyncadd.s32 $0xFFFFFFB0  }
0x3f: {  	_ =	swait.ge [sflag:s29], $0x50  }
0x40: {  	[sflag:s29] =	ssyncset.done $0x0  }
0x41: {  	s13 =	simm.s32 $0x0;
	s19 =	rddreg [dreg:$0xe];
	[sflag:s29] =	ssyncadd.s32 $0xFFFFFFB0  }
0x42: {  	[tilespmem:s31], [sflag:$0x1] =	stream.indirect.gather [hbm4b:s1+s30], $0x80, s23, s30, $0xb8;
	[tilespmem:$0x1B118] =	vst v63  }
.LBB2_2:
0x43: {  	_ =	swait.ge [sflag:s3], $0x50  }
0x44: {  	[sflag:s3] =	ssyncset.done $0x0  }
0x45: {  	[sflag:s3] =	ssyncadd.s32 $0xFFFFFFB0  }
0x46: {  	_ =	swait.ge [sflag:s0], $0x50  }
0x47: {  	[sflag:s0] =	ssyncset.done $0x0  }
0x48: {  	[sflag:s0] =	ssyncadd.s32 $0xFFFFFFB0  }
0x49: {  	[tilespmem:s7], [sflag:$0x2] =	stream.indirect.gather [hbm4b:s1+s30], $0x80, s25, s30, $0xb8;
	[tilespmem:$0x1B118] =	vst v63  }
0x4a: {  	_ =	swait.ge [sflag:s8], $0x2800  }
0x4b: {  	[sflag:s8] =	ssyncset.done $0x0  }
0x4c: {  	[sflag:s8] =	ssyncadd.s32 $0xFFFFD800  }
0x4d: {  	v1 =	vld [tilespmem:$0x13960];
	_ =	sdelay $0x7  }
0x4e: {  	[tilespmem:v1+s22+$0x0] =	vst.idx.add.f32.msk $0xffff, v0  }
0x4f: {  	v1 =	vld [tilespmem:$0x13970];
	_ =	sdelay $0x7  }
0x50: {  	[tilespmem:v1+s22+$0x0] =	vst.idx.add.f32.msk $0xffff, v0  }
0x51: {  	v1 =	vld [tilespmem:$0x13980];
	_ =	sdelay $0x7  }
0x52: {  	[tilespmem:v1+s22+$0x0] =	vst.idx.add.f32.msk $0xffff, v0  }
0x53: {  	v1 =	vld [tilespmem:$0x13990];
	_ =	sdelay $0x7  }
0x54: {  	[tilespmem:v1+s22+$0x0] =	vst.idx.add.f32.msk $0xffff, v0  }
0x55: {  	v1 =	vld [tilespmem:$0x139A0];
	_ =	sdelay $0x7  }
0x56: {  	[tilespmem:v1+s22+$0x0] =	vst.idx.add.f32.msk $0xffff, v0  }
0x57: {  	[spmem:s4] =	stream.indirect.scatter.add.f32 [tilespmem:s31], [sflag:$0x7], $0x80, s24, s30, $0xb8;
	[tilespmem:$0x1B118] =	vst v63  }
0x58: {  	p0 =	seq.s32 s13, $0x9B0;
	_ =	swait.ge [sflag:s21], $0x2800  }
0x59: {  	s14 =	sshrl.u32 @!p0 s19, $0x3;
	s16 =	simm.s32 @!p0 $0x0;
	[sflag:s21] =	ssyncset.done $0x0  }
0x5a: {  	s12 =	simm.s32 @!p0 $0x138C0;
	s15 =	sadd.s32 @!p0 s2, s14;
	[sflag:s21] =	ssyncadd.s32 $0xFFFFD800  }
0x5b: {  	[tilespmem:s12], [sflag:$0x3] =	stream.linear.gather @!p0 [hbm4b:s15+s16], $0x50, $0x38;
	[tilespmem:$0x1B118] =	vst v63  }
0x5c: {  	s14 =	sadd.s32 @!p0 s6, s14;
	s15 =	simm.s32 @!p0 $0x13960  }
0x5d: {  	[tilespmem:s15], [sflag:$0x5] =	stream.linear.gather @!p0 [hbm4b:s14+s16], $0x50, $0x38;
	[tilespmem:$0x1B118] =	vst v63  }
0x5e: {  	s14 =	simm.s32 @!p0 $0x3  }
0x5f: {  	_ =	swait.ge @!p0 [sflag:s14], $0x50  }
0x60: {  	[sflag:s14] =	ssyncset.done @!p0 $0x0  }
0x61: {  	[sflag:s14] =	ssyncadd.s32 @!p0 $0xFFFFFFB0;
	s14 =	simm.s32 @!p0 $0x5  }
0x62: {  	_ =	swait.ge @!p0 [sflag:s14], $0x50  }
0x63: {  	[sflag:s14] =	ssyncset.done @!p0 $0x0  }
0x64: {  	s15 =	simm.s32 @!p0 $0x13A00;
	[sflag:s14] =	ssyncadd.s32 @!p0 $0xFFFFFFB0;
	s14 =	simm.s32 @!p0 $0x50  }
0x65: {  	[tilespmem:s15], [sflag:$0x1] =	stream.indirect.gather @!p0 [hbm4b:s1+s14], $0x80, s12, s14, $0xb8;
	[tilespmem:$0x1B118] =	vst v63  }
0x66: {  	_ =	swait.ge [sflag:s10], $0x2800  }
0x67: {  	[sflag:s10] =	ssyncset.done $0x0  }
0x68: {  	[sflag:s10] =	ssyncadd.s32 $0xFFFFD800  }
0x69: {  	v1 =	vld [tilespmem:$0x139B0];
	_ =	sdelay $0x7  }
0x6a: {  	[tilespmem:v1+s22+$0x0] =	vst.idx.add.f32.msk $0xffff, v0  }
0x6b: {  	v1 =	vld [tilespmem:$0x139C0];
	_ =	sdelay $0x7  }
0x6c: {  	[tilespmem:v1+s22+$0x0] =	vst.idx.add.f32.msk $0xffff, v0  }
0x6d: {  	v1 =	vld [tilespmem:$0x139D0];
	_ =	sdelay $0x7  }
0x6e: {  	[tilespmem:v1+s22+$0x0] =	vst.idx.add.f32.msk $0xffff, v0  }
0x6f: {  	v1 =	vld [tilespmem:$0x139E0];
	_ =	sdelay $0x7  }
0x70: {  	[tilespmem:v1+s22+$0x0] =	vst.idx.add.f32.msk $0xffff, v0  }
0x71: {  	v1 =	vld [tilespmem:$0x139F0];
	_ =	sdelay $0x7  }
.Ltmp2:
0x72: {  	[tilespmem:v1+s22+$0x0] =	vst.idx.add.f32.msk $0xffff, v0;
	(pc) =	sbr.rel @p0 .LBB2_4-.Ltmp2, $4  }
0x73: {  	[spmem:s4] =	stream.indirect.scatter.add.f32 [tilespmem:s7], [sflag:$0x7], $0x80, s26, s30, $0xb8;
	[tilespmem:$0x1B118] =	vst v63  }
0x74: {  	_ =	swait.ge [sflag:s21], $0x2800  }
0x75: {  	[sflag:s21] =	ssyncset.done $0x0  }
0x76: {  	[sflag:s21] =	ssyncadd.s32 $0xFFFFD800  }
.Ltmp3:
0x77: {  	(pc) =	sbr.rel .LBB2_2-.Ltmp3, $4  }
0x78: {  	s12 =	sadd.s32 s13, s18  }
0x79: {  	[tilespmem:s25], [sflag:$0x4] =	stream.linear.gather [hbm4b:s12+s5], $0x50, $0x38;
	[tilespmem:$0x1B118] =	vst v63  }
0x7a: {  	s16 =	sadd.s32 s13, s17;
	s13 =	sadd.s32 $0x14, s13;
	s19 =	sadd.s32 $0xA0, s19  }
0x7b: {  	[tilespmem:s26], [sflag:$0x6] =	stream.linear.gather [hbm4b:s16+s5], $0x50, $0x38;
	[tilespmem:$0x1B118] =	vst v63  }
.LBB2_5:
0x7c: {  	_ =	sfence.sel $0x180000  }
0x7d: {  	[bflag:$0x0] =	sbarrier.arrive $0xFFFF  }
0x7e: {  	_ =	strace $0x90000047  }
0x7f: {  	s0 =	stileid.u32;
	[bflag:$0x2] =	sbarrier.arrive $0xFFFF  }
0x80: {  	p0 =	sne.s32 s0, $0x0;
	s0 =	rddreg [dreg:$0x4]  }
0x81: {  	s0 =	sadd.s32 @!p0 $0x100000, s0  }
0x82: {  	[sflag:s0] =	ssyncadd.tile.s32 @!p0 $0x1;
	_ =	shalt  }
.Lfunc_end2:
_tile_overlayer_lowered:
.L_overlay_start_2:
0x83: {  	(tag) =	ssettag $0x2  }
0x84: {  	s0 =	rddreg [dreg:$0x0];
	s2 =	stileid.u32  }
0x85: {  	s1 =	rddreg [dreg:$0x1];
	p0 =	sne.s32 s2, $0x0  }
0x86: {  	s3 =	rddreg [dreg:$0x2];
	[bflag:$0x3] =	sbarrier.arrive $0xFFFF;
	s2 =	simm.s32 @!p0 $0x1C07  }
0x87: {  	[timem:s3], [sflag:s2] =	dma.local @!p0 [hbm:s0], s1  }
0x88: {  	s0 =	simm.s32 @!p0 $0x7  }
0x89: {  	_ =	swait.ge @!p0 [sflag:s0], s1  }
0x8a: {  	s1 =	ssub.s32 @!p0 $0x0, s1;
	[sflag:s0] =	ssyncset.done @!p0 $0x0  }
0x8b: {  	[sflag:s0] =	ssyncadd.s32 @!p0 s1  }
0x8c: {  	[bflag:$0x3] =	sbarrier.arrive $0xFFFF  }
0x8d: {  	_ =	shalt  }

</sc_bundles>
